<compile_context>
chip_gen: v7x
topology: tpu7x:2x2x1
jax: 0.10.2.dev20260603
libtpu: 0.0.44.dev20260713+nightly
codegen_flags: <defaults>
</compile_context>

<pallas_src>
import functools
import math

import jax
import jax.numpy as jnp
from jax import lax
from jax.experimental import pallas as pl
from jax.experimental.pallas import tpu as pltpu
from jax.experimental.pallas import tpu_sc as plsc

_ROWS = 8192
_COLS = 4096
_SC_ROWS = 2048
_TC_ROWS = _ROWS - _SC_ROWS

_NC = 2
_NS = 16
_NW = _NC * _NS
_L = 16

_SC_TOTAL = _SC_ROWS * _COLS
_PER_W = _SC_TOTAL // _NW
_CHUNK = 8192
_NCHUNK = _PER_W // _CHUNK
_INV_STEP = float(255.0 / (2.0 * math.pi))
_UNROLL = 8
_NBUF = 4

_TC_BLOCK_R = 512


@functools.partial(
    pl.kernel,
    out_type=jax.ShapeDtypeStruct((_SC_TOTAL,), jnp.int32),
    mesh=plsc.VectorSubcoreMesh(core_axis_name="c", subcore_axis_name="s"),
    scratch_types=(
        [pltpu.VMEM((_CHUNK,), jnp.float32) for _ in range(_NBUF)]
        + [pltpu.VMEM((_CHUNK,), jnp.int32) for _ in range(_NBUF)]
        + [pltpu.SemaphoreType.DMA for _ in range(2 * _NBUF)]
    ),
)
def _sc_bucketize(x_hbm, out_hbm, *scr):
    ibufs = scr[:_NBUF]
    obufs = scr[_NBUF:2 * _NBUF]
    sin = scr[2 * _NBUF:3 * _NBUF]
    sout = scr[3 * _NBUF:]
    wid = lax.axis_index("s") * _NC + lax.axis_index("c")
    base = wid * _PER_W
    base_in = _TC_ROWS * _COLS + base
    inv_step = jnp.full((_L,), _INV_STEP, jnp.float32)

    def compute_chunk(src_v, dst_v):
        def vec_body(i, c2):
            b = i * (_L * _UNROLL)
            for u in range(_UNROLL):
                xv = src_v[pl.ds(b + u * _L, _L)]
                t = xv * inv_step
                e = t.astype(jnp.int32)
                e = jnp.where(t > 0.0, e + 1, e)
                e = jnp.minimum(jnp.maximum(e, 0), 256)
                dst_v[pl.ds(b + u * _L, _L)] = e
            return c2

        lax.fori_loop(0, _CHUNK // (_L * _UNROLL), vec_body, 0)

    def in_slice(g):
        return x_hbm.at[pl.ds(base_in + g * _CHUNK, _CHUNK)]

    def out_slice(g):
        return out_hbm.at[pl.ds(base + g * _CHUNK, _CHUNK)]

    pltpu.async_copy(in_slice(0), ibufs[0], sin[0])
    pltpu.async_copy(in_slice(1), ibufs[1], sin[1])
    pltpu.async_copy(in_slice(2), ibufs[2], sin[2])
    kmax = _NCHUNK // _NBUF

    def body(k, carry):
        for j in range(_NBUF):
            g = k * _NBUF + j
            pltpu.make_async_copy(in_slice(g), ibufs[j], sin[j]).wait()

            @pl.when(k > 0)
            def _():
                pltpu.make_async_copy(
                    obufs[j], out_slice(g - _NBUF), sout[j]).wait()

            compute_chunk(ibufs[j], obufs[j])
            pltpu.async_copy(obufs[j], out_slice(g), sout[j])
            j3 = (j + 3) % _NBUF
            if j == 0:
                pltpu.async_copy(in_slice(g + 3), ibufs[j3], sin[j3])
            else:
                @pl.when(k < kmax - 1)
                def _():
                    pltpu.async_copy(in_slice(g + 3), ibufs[j3], sin[j3])
        return carry

    lax.fori_loop(0, kmax, body, 0)
    for j in range(_NBUF):
        pltpu.make_async_copy(
            obufs[j], out_slice(_NCHUNK - _NBUF + j), sout[j]).wait()


def _tc_body(x_ref, o_ref):
    t = x_ref[...] * _INV_STEP
    e = t.astype(jnp.int32)
    e = jnp.where(t > 0.0, e + 1, e)
    o_ref[...] = jnp.minimum(jnp.maximum(e, 0), 256)


_tc_bucketize = pl.pallas_call(
    _tc_body,
    out_shape=jax.ShapeDtypeStruct((_ROWS, _COLS), jnp.int32),
    grid=(_TC_ROWS // _TC_BLOCK_R,),
    in_specs=[pl.BlockSpec((_TC_BLOCK_R, _COLS), lambda i: (i, 0))],
    out_specs=pl.BlockSpec((_TC_BLOCK_R, _COLS), lambda i: (i, 0)),
)


def kernel(x, phase_lut):
    out_tc = _tc_bucketize(x)
    out_sc = _sc_bucketize(x.reshape(-1))
    return lax.dynamic_update_slice(
        out_tc, out_sc.reshape(_SC_ROWS, _COLS), (_TC_ROWS, 0))

# --- scband reference (transcript-rebuilt; emitter-appended) ---
"""Pipeline reference for scband-discrete-decision-engine-19731079758494 (READ-ONLY COPY).

The authoritative reference and input builder live on the scoring server;
editing this copy changes nothing except your own understanding.
"""

import jax, jax.numpy as jnp
import numpy as np

NUM_PHASES = 256


def setup_inputs(seed: int = 0) -> dict:
    key = jax.random.key(seed)
    x = jax.random.normal(key, (8192, 4096), dtype=jnp.float32)
    # buffer: phase_lut = torch.linspace(0, 2*pi, num_phases)
    phase_lut = jnp.linspace(0.0, 2.0 * np.pi, NUM_PHASES, dtype=jnp.float32)
    return {"x": x, "phase_lut": phase_lut}


def reference(x, phase_lut):
    # torch.bucketize(x, boundaries, right=False) returns i such that
    # boundaries[i-1] < x <= boundaries[i], which is exactly
    # jnp.searchsorted(boundaries, x, side='left').
    return jnp.searchsorted(phase_lut, x, side='left')

if __name__ == "__main__":
    import jax
    _d = setup_inputs()
    print(jax.jit(kernel)(*tuple(_d.values())))

</pallas_src>

<mosaic_0001>
#map = affine_map<(d0, d1) -> (0)>
module attributes {stable_mosaic.version = 14 : i64} {
  func.func @_sc_bucketize(%arg0: i32, %arg1: i32, %arg2: memref<33554432xf32, #tpu.memory_space<hbm>>, %arg3: memref<8388608xi32, #tpu.memory_space<hbm>>, %arg4: memref<8192xf32, #tpu.memory_space<vmem>>, %arg5: memref<8192xf32, #tpu.memory_space<vmem>>, %arg6: memref<8192xf32, #tpu.memory_space<vmem>>, %arg7: memref<8192xf32, #tpu.memory_space<vmem>>, %arg8: memref<8192xi32, #tpu.memory_space<vmem>>, %arg9: memref<8192xi32, #tpu.memory_space<vmem>>, %arg10: memref<8192xi32, #tpu.memory_space<vmem>>, %arg11: memref<8192xi32, #tpu.memory_space<vmem>>, %arg12: memref<!tpu.dma_semaphore, #tpu.memory_space<semaphore_mem>>, %arg13: memref<!tpu.dma_semaphore, #tpu.memory_space<semaphore_mem>>, %arg14: memref<!tpu.dma_semaphore, #tpu.memory_space<semaphore_mem>>, %arg15: memref<!tpu.dma_semaphore, #tpu.memory_space<semaphore_mem>>, %arg16: memref<!tpu.dma_semaphore, #tpu.memory_space<semaphore_mem>>, %arg17: memref<!tpu.dma_semaphore, #tpu.memory_space<semaphore_mem>>, %arg18: memref<!tpu.dma_semaphore, #tpu.memory_space<semaphore_mem>>, %arg19: memref<!tpu.dma_semaphore, #tpu.memory_space<semaphore_mem>>) attributes {dimension_semantics = [#tpu.dimension_semantics<core_parallel>, #tpu.dimension_semantics<subcore_parallel>], iteration_bounds = array<i64: 2, 16>, scalar_prefetch = 0 : i64, scratch_operands = 16 : i64, tpu.core_type = #tpu.core_type<sc_vector_subcore>, window_params = [{transform_indices = #map}, {transform_indices = #map}]} {
    %mul3A = arith.constant 2 : i32
    %mul3A_0 = arith.muli %arg1, %mul3A : i32
    %add3A = arith.addi %mul3A_0, %arg0 : i32
    %mul3A_1 = arith.constant 262144 : i32
    %mul3A_2 = arith.muli %add3A, %mul3A_1 : i32
    %add3A_3 = arith.constant 25165824 : i32
    %add3A_4 = arith.addi %add3A_3, %mul3A_2 : i32
    %broadcast_in_dim3A = arith.constant 40.5845108 : f32
    %broadcast_in_dim3A_5 = vector.broadcast %broadcast_in_dim3A : f32 to vector<16xf32>
    %add3A_6 = arith.constant 0 : i32
    %add3A_7 = arith.addi %add3A_4, %add3A_6 : i32
    %dma_start3A = tpu.memref_slice %arg2[%add3A_7] : memref<33554432xf32, #tpu.memory_space<hbm>> -> memref<8192xf32, #tpu.memory_space<hbm>>
    %dma_start3A_8 = tpu.memref_slice %arg2[%add3A_7] : memref<33554432xf32, #tpu.memory_space<hbm>> -> memref<8192xf32, #tpu.memory_space<hbm>>
    tpu.enqueue_dma source(%dma_start3A_8 : memref<8192xf32, #tpu.memory_space<hbm>>) target(%arg4 : memref<8192xf32, #tpu.memory_space<vmem>>) target_semaphore(%arg12 : memref<!tpu.dma_semaphore, #tpu.memory_space<semaphore_mem>>)
    %add3A_9 = arith.constant 8192 : i32
    %add3A_10 = arith.addi %add3A_4, %add3A_9 : i32
    %dma_start3A_11 = tpu.memref_slice %arg2[%add3A_10] : memref<33554432xf32, #tpu.memory_space<hbm>> -> memref<8192xf32, #tpu.memory_space<hbm>>
    %dma_start3A_12 = tpu.memref_slice %arg2[%add3A_10] : memref<33554432xf32, #tpu.memory_space<hbm>> -> memref<8192xf32, #tpu.memory_space<hbm>>
    tpu.enqueue_dma source(%dma_start3A_12 : memref<8192xf32, #tpu.memory_space<hbm>>) target(%arg5 : memref<8192xf32, #tpu.memory_space<vmem>>) target_semaphore(%arg13 : memref<!tpu.dma_semaphore, #tpu.memory_space<semaphore_mem>>)
    %add3A_13 = arith.constant 16384 : i32
    %add3A_14 = arith.addi %add3A_4, %add3A_13 : i32
    %dma_start3A_15 = tpu.memref_slice %arg2[%add3A_14] : memref<33554432xf32, #tpu.memory_space<hbm>> -> memref<8192xf32, #tpu.memory_space<hbm>>
    %dma_start3A_16 = tpu.memref_slice %arg2[%add3A_14] : memref<33554432xf32, #tpu.memory_space<hbm>> -> memref<8192xf32, #tpu.memory_space<hbm>>
    tpu.enqueue_dma source(%dma_start3A_16 : memref<8192xf32, #tpu.memory_space<hbm>>) target(%arg6 : memref<8192xf32, #tpu.memory_space<vmem>>) target_semaphore(%arg14 : memref<!tpu.dma_semaphore, #tpu.memory_space<semaphore_mem>>)
    %scan3A = arith.constant 0 : i32
    %scan3A_17 = arith.constant 0 : i32
    %scan3A_18 = arith.constant 8 : i32
    %scan3A_19 = arith.addi %scan3A_17, %scan3A_18 : i32
    %scan3A_20 = arith.constant 1 : i32
    scf.for %scan3A_37 = %scan3A_17 to %scan3A_19 step %scan3A_20  : i32 {
      %mul3A_38 = arith.constant 4 : i32
      %mul3A_39 = arith.muli %scan3A_37, %mul3A_38 : i32
      %add3A_40 = arith.constant 0 : i32
      %add3A_41 = arith.addi %mul3A_39, %add3A_40 : i32
      %mul3A_42 = arith.constant 8192 : i32
      %mul3A_43 = arith.muli %add3A_41, %mul3A_42 : i32
      %add3A_44 = arith.addi %add3A_4, %mul3A_43 : i32
      %dma_wait3A_45 = tpu.memref_slice %arg2[%add3A_44] : memref<33554432xf32, #tpu.memory_space<hbm>> -> memref<8192xf32, #tpu.memory_space<hbm>>
      %dma_wait3A_46 = tpu.memref_slice %arg2[%add3A_44] : memref<33554432xf32, #tpu.memory_space<hbm>> -> memref<8192xf32, #tpu.memory_space<hbm>>
      tpu.wait_dma2 semaphore(%arg12 : memref<!tpu.dma_semaphore, #tpu.memory_space<semaphore_mem>>) src(%dma_wait3A_46 : memref<8192xf32, #tpu.memory_space<hbm>>) dst(%arg4 : memref<8192xf32, #tpu.memory_space<vmem>>)
      %gt3A = arith.constant 0 : i32
      %gt3A_47 = arith.cmpi sgt, %scan3A_37, %gt3A : i32
      %convert_element_type3A = arith.extui %gt3A_47 : i1 to i32
      %cond3A = arith.constant 0 : i32
      %cond3A_48 = arith.cmpi ne, %convert_element_type3A, %cond3A : i32
      scf.if %cond3A_48 {
        %sub3A = arith.constant 4 : i32
        %sub3A_156 = arith.subi %add3A_41, %sub3A : i32
        %mul3A_157 = arith.constant 8192 : i32
        %mul3A_158 = arith.muli %sub3A_156, %mul3A_157 : i32
        %add3A_159 = arith.addi %mul3A_2, %mul3A_158 : i32
        %dma_wait3A_160 = tpu.memref_slice %arg3[%add3A_159] : memref<8388608xi32, #tpu.memory_space<hbm>> -> memref<8192xi32, #tpu.memory_space<hbm>>
        %dma_wait3A_161 = tpu.memref_slice %arg3[%add3A_159] : memref<8388608xi32, #tpu.memory_space<hbm>> -> memref<8192xi32, #tpu.memory_space<hbm>>
        tpu.wait_dma2 semaphore(%arg16 : memref<!tpu.dma_semaphore, #tpu.memory_space<semaphore_mem>>) src(%arg8 : memref<8192xi32, #tpu.memory_space<vmem>>) dst(%dma_wait3A_161 : memref<8192xi32, #tpu.memory_space<hbm>>)
      } else {
      }
      %scan3A_49 = arith.constant 0 : i32
      %scan3A_50 = arith.constant 0 : i32
      %scan3A_51 = arith.constant 64 : i32
      %scan3A_52 = arith.addi %scan3A_50, %scan3A_51 : i32
      %scan3A_53 = arith.constant 1 : i32
      scf.for %scan3A_156 = %scan3A_50 to %scan3A_52 step %scan3A_53  : i32 {
        %mul3A_157 = arith.constant 128 : i32
        %mul3A_158 = arith.muli %scan3A_156, %mul3A_157 : i32
        %add3A_159 = arith.constant 0 : i32
        %add3A_160 = arith.addi %mul3A_158, %add3A_159 : i32
        %get3A = arith.index_cast %add3A_160 : i32 to index
        %get3A_161 = tpu.vector_load %arg4[%get3A] {strides = array<i32>} : memref<8192xf32, #tpu.memory_space<vmem>>, vector<16xf32>,
        %get3A_162 = vector.shape_cast %get3A_161 : vector<16xf32> to vector<16xf32>
        %mul3A_163 = arith.mulf %get3A_162, %broadcast_in_dim3A_5 : vector<16xf32>
        %convert_element_type3A_164 = arith.fptosi %mul3A_163 : vector<16xf32> to vector<16xi32>
        %gt3A_165 = arith.constant 0.000000e+00 : f32
        %gt3A_166 = vector.broadcast %gt3A_165 : f32 to vector<16xf32>
        %gt3A_167 = arith.cmpf ogt, %mul3A_163, %gt3A_166 : vector<16xf32>
        %add3A_168 = arith.constant 1 : i32
        %add3A_169 = vector.broadcast %add3A_168 : i32 to vector<16xi32>
        %add3A_170 = arith.addi %convert_element_type3A_164, %add3A_169 : vector<16xi32>
        %select_n3A = arith.select %gt3A_167, %add3A_170, %convert_element_type3A_164 : vector<16xi1>, vector<16xi32>
        %max3A = arith.constant 0 : i32
        %max3A_171 = vector.broadcast %max3A : i32 to vector<16xi32>
        %max3A_172 = arith.maxsi %select_n3A, %max3A_171 : vector<16xi32>
        %min3A = arith.constant 256 : i32
        %min3A_173 = vector.broadcast %min3A : i32 to vector<16xi32>
        %min3A_174 = arith.minsi %max3A_172, %min3A_173 : vector<16xi32>
        %add3A_175 = arith.constant 0 : i32
        %add3A_176 = arith.addi %mul3A_158, %add3A_175 : i32
        %swap3A = arith.index_cast %add3A_176 : i32 to index
        %swap3A_177 = tpu.vector_load %arg8[%swap3A] {strides = array<i32>} : memref<8192xi32, #tpu.memory_space<vmem>>, vector<16xi32>,
        %swap3A_178 = vector.shape_cast %swap3A_177 : vector<16xi32> to vector<16xi32>
        %swap3A_179 = vector.shape_cast %min3A_174 : vector<16xi32> to vector<16xi32>
        tpu.vector_store %arg8[%swap3A], %swap3A_179 {strides = array<i32>} : memref<8192xi32, #tpu.memory_space<vmem>>, vector<16xi32>,
        %add3A_180 = arith.constant 16 : i32
        %add3A_181 = arith.addi %mul3A_158, %add3A_180 : i32
        %get3A_182 = arith.index_cast %add3A_181 : i32 to index
        %get3A_183 = tpu.vector_load %arg4[%get3A_182] {strides = array<i32>} : memref<8192xf32, #tpu.memory_space<vmem>>, vector<16xf32>,
        %get3A_184 = vector.shape_cast %get3A_183 : vector<16xf32> to vector<16xf32>
        %mul3A_185 = arith.mulf %get3A_184, %broadcast_in_dim3A_5 : vector<16xf32>
        %convert_element_type3A_186 = arith.fptosi %mul3A_185 : vector<16xf32> to vector<16xi32>
        %gt3A_187 = arith.constant 0.000000e+00 : f32
        %gt3A_188 = vector.broadcast %gt3A_187 : f32 to vector<16xf32>
        %gt3A_189 = arith.cmpf ogt, %mul3A_185, %gt3A_188 : vector<16xf32>
        %add3A_190 = arith.constant 1 : i32
        %add3A_191 = vector.broadcast %add3A_190 : i32 to vector<16xi32>
        %add3A_192 = arith.addi %convert_element_type3A_186, %add3A_191 : vector<16xi32>
        %select_n3A_193 = arith.select %gt3A_189, %add3A_192, %convert_element_type3A_186 : vector<16xi1>, vector<16xi32>
        %max3A_194 = arith.constant 0 : i32
        %max3A_195 = vector.broadcast %max3A_194 : i32 to vector<16xi32>
        %max3A_196 = arith.maxsi %select_n3A_193, %max3A_195 : vector<16xi32>
        %min3A_197 = arith.constant 256 : i32
        %min3A_198 = vector.broadcast %min3A_197 : i32 to vector<16xi32>
        %min3A_199 = arith.minsi %max3A_196, %min3A_198 : vector<16xi32>
        %add3A_200 = arith.constant 16 : i32
        %add3A_201 = arith.addi %mul3A_158, %add3A_200 : i32
        %swap3A_202 = arith.index_cast %add3A_201 : i32 to index
        %swap3A_203 = tpu.vector_load %arg8[%swap3A_202] {strides = array<i32>} : memref<8192xi32, #tpu.memory_space<vmem>>, vector<16xi32>,
        %swap3A_204 = vector.shape_cast %swap3A_203 : vector<16xi32> to vector<16xi32>
        %swap3A_205 = vector.shape_cast %min3A_199 : vector<16xi32> to vector<16xi32>
        tpu.vector_store %arg8[%swap3A_202], %swap3A_205 {strides = array<i32>} : memref<8192xi32, #tpu.memory_space<vmem>>, vector<16xi32>,
        %add3A_206 = arith.constant 32 : i32
        %add3A_207 = arith.addi %mul3A_158, %add3A_206 : i32
        %get3A_208 = arith.index_cast %add3A_207 : i32 to index
        %get3A_209 = tpu.vector_load %arg4[%get3A_208] {strides = array<i32>} : memref<8192xf32, #tpu.memory_space<vmem>>, vector<16xf32>,
        %get3A_210 = vector.shape_cast %get3A_209 : vector<16xf32> to vector<16xf32>
        %mul3A_211 = arith.mulf %get3A_210, %broadcast_in_dim3A_5 : vector<16xf32>
        %convert_element_type3A_212 = arith.fptosi %mul3A_211 : vector<16xf32> to vector<16xi32>
        %gt3A_213 = arith.constant 0.000000e+00 : f32
        %gt3A_214 = vector.broadcast %gt3A_213 : f32 to vector<16xf32>
        %gt3A_215 = arith.cmpf ogt, %mul3A_211, %gt3A_214 : vector<16xf32>
        %add3A_216 = arith.constant 1 : i32
        %add3A_217 = vector.broadcast %add3A_216 : i32 to vector<16xi32>
        %add3A_218 = arith.addi %convert_element_type3A_212, %add3A_217 : vector<16xi32>
        %select_n3A_219 = arith.select %gt3A_215, %add3A_218, %convert_element_type3A_212 : vector<16xi1>, vector<16xi32>
        %max3A_220 = arith.constant 0 : i32
        %max3A_221 = vector.broadcast %max3A_220 : i32 to vector<16xi32>
        %max3A_222 = arith.maxsi %select_n3A_219, %max3A_221 : vector<16xi32>
        %min3A_223 = arith.constant 256 : i32
        %min3A_224 = vector.broadcast %min3A_223 : i32 to vector<16xi32>
        %min3A_225 = arith.minsi %max3A_222, %min3A_224 : vector<16xi32>
        %add3A_226 = arith.constant 32 : i32
        %add3A_227 = arith.addi %mul3A_158, %add3A_226 : i32
        %swap3A_228 = arith.index_cast %add3A_227 : i32 to index
        %swap3A_229 = tpu.vector_load %arg8[%swap3A_228] {strides = array<i32>} : memref<8192xi32, #tpu.memory_space<vmem>>, vector<16xi32>,
        %swap3A_230 = vector.shape_cast %swap3A_229 : vector<16xi32> to vector<16xi32>
        %swap3A_231 = vector.shape_cast %min3A_225 : vector<16xi32> to vector<16xi32>
        tpu.vector_store %arg8[%swap3A_228], %swap3A_231 {strides = array<i32>} : memref<8192xi32, #tpu.memory_space<vmem>>, vector<16xi32>,
        %add3A_232 = arith.constant 48 : i32
        %add3A_233 = arith.addi %mul3A_158, %add3A_232 : i32
        %get3A_234 = arith.index_cast %add3A_233 : i32 to index
        %get3A_235 = tpu.vector_load %arg4[%get3A_234] {strides = array<i32>} : memref<8192xf32, #tpu.memory_space<vmem>>, vector<16xf32>,
        %get3A_236 = vector.shape_cast %get3A_235 : vector<16xf32> to vector<16xf32>
        %mul3A_237 = arith.mulf %get3A_236, %broadcast_in_dim3A_5 : vector<16xf32>
        %convert_element_type3A_238 = arith.fptosi %mul3A_237 : vector<16xf32> to vector<16xi32>
        %gt3A_239 = arith.constant 0.000000e+00 : f32
        %gt3A_240 = vector.broadcast %gt3A_239 : f32 to vector<16xf32>
        %gt3A_241 = arith.cmpf ogt, %mul3A_237, %gt3A_240 : vector<16xf32>
        %add3A_242 = arith.constant 1 : i32
        %add3A_243 = vector.broadcast %add3A_242 : i32 to vector<16xi32>
        %add3A_244 = arith.addi %convert_element_type3A_238, %add3A_243 : vector<16xi32>
        %select_n3A_245 = arith.select %gt3A_241, %add3A_244, %convert_element_type3A_238 : vector<16xi1>, vector<16xi32>
        %max3A_246 = arith.constant 0 : i32
        %max3A_247 = vector.broadcast %max3A_246 : i32 to vector<16xi32>
        %max3A_248 = arith.maxsi %select_n3A_245, %max3A_247 : vector<16xi32>
        %min3A_249 = arith.constant 256 : i32
        %min3A_250 = vector.broadcast %min3A_249 : i32 to vector<16xi32>
        %min3A_251 = arith.minsi %max3A_248, %min3A_250 : vector<16xi32>
        %add3A_252 = arith.constant 48 : i32
        %add3A_253 = arith.addi %mul3A_158, %add3A_252 : i32
        %swap3A_254 = arith.index_cast %add3A_253 : i32 to index
        %swap3A_255 = tpu.vector_load %arg8[%swap3A_254] {strides = array<i32>} : memref<8192xi32, #tpu.memory_space<vmem>>, vector<16xi32>,
        %swap3A_256 = vector.shape_cast %swap3A_255 : vector<16xi32> to vector<16xi32>
        %swap3A_257 = vector.shape_cast %min3A_251 : vector<16xi32> to vector<16xi32>
        tpu.vector_store %arg8[%swap3A_254], %swap3A_257 {strides = array<i32>} : memref<8192xi32, #tpu.memory_space<vmem>>, vector<16xi32>,
        %add3A_258 = arith.constant 64 : i32
        %add3A_259 = arith.addi %mul3A_158, %add3A_258 : i32
        %get3A_260 = arith.index_cast %add3A_259 : i32 to index
        %get3A_261 = tpu.vector_load %arg4[%get3A_260] {strides = array<i32>} : memref<8192xf32, #tpu.memory_space<vmem>>, vector<16xf32>,
        %get3A_262 = vector.shape_cast %get3A_261 : vector<16xf32> to vector<16xf32>
        %mul3A_263 = arith.mulf %get3A_262, %broadcast_in_dim3A_5 : vector<16xf32>
        %convert_element_type3A_264 = arith.fptosi %mul3A_263 : vector<16xf32> to vector<16xi32>
        %gt3A_265 = arith.constant 0.000000e+00 : f32
        %gt3A_266 = vector.broadcast %gt3A_265 : f32 to vector<16xf32>
        %gt3A_267 = arith.cmpf ogt, %mul3A_263, %gt3A_266 : vector<16xf32>
        %add3A_268 = arith.constant 1 : i32
        %add3A_269 = vector.broadcast %add3A_268 : i32 to vector<16xi32>
        %add3A_270 = arith.addi %convert_element_type3A_264, %add3A_269 : vector<16xi32>
        %select_n3A_271 = arith.select %gt3A_267, %add3A_270, %convert_element_type3A_264 : vector<16xi1>, vector<16xi32>
        %max3A_272 = arith.constant 0 : i32
        %max3A_273 = vector.broadcast %max3A_272 : i32 to vector<16xi32>
        %max3A_274 = arith.maxsi %select_n3A_271, %max3A_273 : vector<16xi32>
        %min3A_275 = arith.constant 256 : i32
        %min3A_276 = vector.broadcast %min3A_275 : i32 to vector<16xi32>
        %min3A_277 = arith.minsi %max3A_274, %min3A_276 : vector<16xi32>
        %add3A_278 = arith.constant 64 : i32
        %add3A_279 = arith.addi %mul3A_158, %add3A_278 : i32
        %swap3A_280 = arith.index_cast %add3A_279 : i32 to index
        %swap3A_281 = tpu.vector_load %arg8[%swap3A_280] {strides = array<i32>} : memref<8192xi32, #tpu.memory_space<vmem>>, vector<16xi32>,
        %swap3A_282 = vector.shape_cast %swap3A_281 : vector<16xi32> to vector<16xi32>
        %swap3A_283 = vector.shape_cast %min3A_277 : vector<16xi32> to vector<16xi32>
        tpu.vector_store %arg8[%swap3A_280], %swap3A_283 {strides = array<i32>} : memref<8192xi32, #tpu.memory_space<vmem>>, vector<16xi32>,
        %add3A_284 = arith.constant 80 : i32
        %add3A_285 = arith.addi %mul3A_158, %add3A_284 : i32
        %get3A_286 = arith.index_cast %add3A_285 : i32 to index
        %get3A_287 = tpu.vector_load %arg4[%get3A_286] {strides = array<i32>} : memref<8192xf32, #tpu.memory_space<vmem>>, vector<16xf32>,
        %get3A_288 = vector.shape_cast %get3A_287 : vector<16xf32> to vector<16xf32>
        %mul3A_289 = arith.mulf %get3A_288, %broadcast_in_dim3A_5 : vector<16xf32>
        %convert_element_type3A_290 = arith.fptosi %mul3A_289 : vector<16xf32> to vector<16xi32>
        %gt3A_291 = arith.constant 0.000000e+00 : f32
        %gt3A_292 = vector.broadcast %gt3A_291 : f32 to vector<16xf32>
        %gt3A_293 = arith.cmpf ogt, %mul3A_289, %gt3A_292 : vector<16xf32>
        %add3A_294 = arith.constant 1 : i32
        %add3A_295 = vector.broadcast %add3A_294 : i32 to vector<16xi32>
        %add3A_296 = arith.addi %convert_element_type3A_290, %add3A_295 : vector<16xi32>
        %select_n3A_297 = arith.select %gt3A_293, %add3A_296, %convert_element_type3A_290 : vector<16xi1>, vector<16xi32>
        %max3A_298 = arith.constant 0 : i32
        %max3A_299 = vector.broadcast %max3A_298 : i32 to vector<16xi32>
        %max3A_300 = arith.maxsi %select_n3A_297, %max3A_299 : vector<16xi32>
        %min3A_301 = arith.constant 256 : i32
        %min3A_302 = vector.broadcast %min3A_301 : i32 to vector<16xi32>
        %min3A_303 = arith.minsi %max3A_300, %min3A_302 : vector<16xi32>
        %add3A_304 = arith.constant 80 : i32
        %add3A_305 = arith.addi %mul3A_158, %add3A_304 : i32
        %swap3A_306 = arith.index_cast %add3A_305 : i32 to index
        %swap3A_307 = tpu.vector_load %arg8[%swap3A_306] {strides = array<i32>} : memref<8192xi32, #tpu.memory_space<vmem>>, vector<16xi32>,
        %swap3A_308 = vector.shape_cast %swap3A_307 : vector<16xi32> to vector<16xi32>
        %swap3A_309 = vector.shape_cast %min3A_303 : vector<16xi32> to vector<16xi32>
        tpu.vector_store %arg8[%swap3A_306], %swap3A_309 {strides = array<i32>} : memref<8192xi32, #tpu.memory_space<vmem>>, vector<16xi32>,
        %add3A_310 = arith.constant 96 : i32
        %add3A_311 = arith.addi %mul3A_158, %add3A_310 : i32
        %get3A_312 = arith.index_cast %add3A_311 : i32 to index
        %get3A_313 = tpu.vector_load %arg4[%get3A_312] {strides = array<i32>} : memref<8192xf32, #tpu.memory_space<vmem>>, vector<16xf32>,
        %get3A_314 = vector.shape_cast %get3A_313 : vector<16xf32> to vector<16xf32>
        %mul3A_315 = arith.mulf %get3A_314, %broadcast_in_dim3A_5 : vector<16xf32>
        %convert_element_type3A_316 = arith.fptosi %mul3A_315 : vector<16xf32> to vector<16xi32>
        %gt3A_317 = arith.constant 0.000000e+00 : f32
        %gt3A_318 = vector.broadcast %gt3A_317 : f32 to vector<16xf32>
        %gt3A_319 = arith.cmpf ogt, %mul3A_315, %gt3A_318 : vector<16xf32>
        %add3A_320 = arith.constant 1 : i32
        %add3A_321 = vector.broadcast %add3A_320 : i32 to vector<16xi32>
        %add3A_322 = arith.addi %convert_element_type3A_316, %add3A_321 : vector<16xi32>
        %select_n3A_323 = arith.select %gt3A_319, %add3A_322, %convert_element_type3A_316 : vector<16xi1>, vector<16xi32>
        %max3A_324 = arith.constant 0 : i32
        %max3A_325 = vector.broadcast %max3A_324 : i32 to vector<16xi32>
        %max3A_326 = arith.maxsi %select_n3A_323, %max3A_325 : vector<16xi32>
        %min3A_327 = arith.constant 256 : i32
        %min3A_328 = vector.broadcast %min3A_327 : i32 to vector<16xi32>
        %min3A_329 = arith.minsi %max3A_326, %min3A_328 : vector<16xi32>
        %add3A_330 = arith.constant 96 : i32
        %add3A_331 = arith.addi %mul3A_158, %add3A_330 : i32
        %swap3A_332 = arith.index_cast %add3A_331 : i32 to index
        %swap3A_333 = tpu.vector_load %arg8[%swap3A_332] {strides = array<i32>} : memref<8192xi32, #tpu.memory_space<vmem>>, vector<16xi32>,
        %swap3A_334 = vector.shape_cast %swap3A_333 : vector<16xi32> to vector<16xi32>
        %swap3A_335 = vector.shape_cast %min3A_329 : vector<16xi32> to vector<16xi32>
        tpu.vector_store %arg8[%swap3A_332], %swap3A_335 {strides = array<i32>} : memref<8192xi32, #tpu.memory_space<vmem>>, vector<16xi32>,
        %add3A_336 = arith.constant 112 : i32
        %add3A_337 = arith.addi %mul3A_158, %add3A_336 : i32
        %get3A_338 = arith.index_cast %add3A_337 : i32 to index
        %get3A_339 = tpu.vector_load %arg4[%get3A_338] {strides = array<i32>} : memref<8192xf32, #tpu.memory_space<vmem>>, vector<16xf32>,
        %get3A_340 = vector.shape_cast %get3A_339 : vector<16xf32> to vector<16xf32>
        %mul3A_341 = arith.mulf %get3A_340, %broadcast_in_dim3A_5 : vector<16xf32>
        %convert_element_type3A_342 = arith.fptosi %mul3A_341 : vector<16xf32> to vector<16xi32>
        %gt3A_343 = arith.constant 0.000000e+00 : f32
        %gt3A_344 = vector.broadcast %gt3A_343 : f32 to vector<16xf32>
        %gt3A_345 = arith.cmpf ogt, %mul3A_341, %gt3A_344 : vector<16xf32>
        %add3A_346 = arith.constant 1 : i32
        %add3A_347 = vector.broadcast %add3A_346 : i32 to vector<16xi32>
        %add3A_348 = arith.addi %convert_element_type3A_342, %add3A_347 : vector<16xi32>
        %select_n3A_349 = arith.select %gt3A_345, %add3A_348, %convert_element_type3A_342 : vector<16xi1>, vector<16xi32>
        %max3A_350 = arith.constant 0 : i32
        %max3A_351 = vector.broadcast %max3A_350 : i32 to vector<16xi32>
        %max3A_352 = arith.maxsi %select_n3A_349, %max3A_351 : vector<16xi32>
        %min3A_353 = arith.constant 256 : i32
        %min3A_354 = vector.broadcast %min3A_353 : i32 to vector<16xi32>
        %min3A_355 = arith.minsi %max3A_352, %min3A_354 : vector<16xi32>
        %add3A_356 = arith.constant 112 : i32
        %add3A_357 = arith.addi %mul3A_158, %add3A_356 : i32
        %swap3A_358 = arith.index_cast %add3A_357 : i32 to index
        %swap3A_359 = tpu.vector_load %arg8[%swap3A_358] {strides = array<i32>} : memref<8192xi32, #tpu.memory_space<vmem>>, vector<16xi32>,
        %swap3A_360 = vector.shape_cast %swap3A_359 : vector<16xi32> to vector<16xi32>
        %swap3A_361 = vector.shape_cast %min3A_355 : vector<16xi32> to vector<16xi32>
        tpu.vector_store %arg8[%swap3A_358], %swap3A_361 {strides = array<i32>} : memref<8192xi32, #tpu.memory_space<vmem>>, vector<16xi32>,
      }
      %scan3A_54 = arith.constant 64 : i32
      %mul3A_55 = arith.constant 8192 : i32
      %mul3A_56 = arith.muli %add3A_41, %mul3A_55 : i32
      %add3A_57 = arith.addi %mul3A_2, %mul3A_56 : i32
      %dma_start3A_58 = tpu.memref_slice %arg3[%add3A_57] : memref<8388608xi32, #tpu.memory_space<hbm>> -> memref<8192xi32, #tpu.memory_space<hbm>>
      %dma_start3A_59 = tpu.memref_slice %arg3[%add3A_57] : memref<8388608xi32, #tpu.memory_space<hbm>> -> memref<8192xi32, #tpu.memory_space<hbm>>
      tpu.enqueue_dma source(%arg8 : memref<8192xi32, #tpu.memory_space<vmem>>) target(%dma_start3A_59 : memref<8192xi32, #tpu.memory_space<hbm>>) target_semaphore(%arg16 : memref<!tpu.dma_semaphore, #tpu.memory_space<semaphore_mem>>)
      %add3A_60 = arith.constant 3 : i32
      %add3A_61 = arith.addi %add3A_41, %add3A_60 : i32
      %mul3A_62 = arith.constant 8192 : i32
      %mul3A_63 = arith.muli %add3A_61, %mul3A_62 : i32
      %add3A_64 = arith.addi %add3A_4, %mul3A_63 : i32
      %dma_start3A_65 = tpu.memref_slice %arg2[%add3A_64] : memref<33554432xf32, #tpu.memory_space<hbm>> -> memref<8192xf32, #tpu.memory_space<hbm>>
      %dma_start3A_66 = tpu.memref_slice %arg2[%add3A_64] : memref<33554432xf32, #tpu.memory_space<hbm>> -> memref<8192xf32, #tpu.memory_space<hbm>>
      tpu.enqueue_dma source(%dma_start3A_66 : memref<8192xf32, #tpu.memory_space<hbm>>) target(%arg7 : memref<8192xf32, #tpu.memory_space<vmem>>) target_semaphore(%arg15 : memref<!tpu.dma_semaphore, #tpu.memory_space<semaphore_mem>>)
      %mul3A_67 = arith.constant 4 : i32
      %mul3A_68 = arith.muli %scan3A_37, %mul3A_67 : i32
      %add3A_69 = arith.constant 1 : i32
      %add3A_70 = arith.addi %mul3A_68, %add3A_69 : i32
      %mul3A_71 = arith.constant 8192 : i32
      %mul3A_72 = arith.muli %add3A_70, %mul3A_71 : i32
      %add3A_73 = arith.addi %add3A_4, %mul3A_72 : i32
      %dma_wait3A_74 = tpu.memref_slice %arg2[%add3A_73] : memref<33554432xf32, #tpu.memory_space<hbm>> -> memref<8192xf32, #tpu.memory_space<hbm>>
      %dma_wait3A_75 = tpu.memref_slice %arg2[%add3A_73] : memref<33554432xf32, #tpu.memory_space<hbm>> -> memref<8192xf32, #tpu.memory_space<hbm>>
      tpu.wait_dma2 semaphore(%arg13 : memref<!tpu.dma_semaphore, #tpu.memory_space<semaphore_mem>>) src(%dma_wait3A_75 : memref<8192xf32, #tpu.memory_space<hbm>>) dst(%arg5 : memref<8192xf32, #tpu.memory_space<vmem>>)
      %gt3A_76 = arith.constant 0 : i32
      %gt3A_77 = arith.cmpi sgt, %scan3A_37, %gt3A_76 : i32
      %convert_element_type3A_78 = arith.extui %gt3A_77 : i1 to i32
      %cond3A_79 = arith.constant 0 : i32
      %cond3A_80 = arith.cmpi ne, %convert_element_type3A_78, %cond3A_79 : i32
      scf.if %cond3A_80 {
        %sub3A = arith.constant 4 : i32
        %sub3A_156 = arith.subi %add3A_70, %sub3A : i32
        %mul3A_157 = arith.constant 8192 : i32
        %mul3A_158 = arith.muli %sub3A_156, %mul3A_157 : i32
        %add3A_159 = arith.addi %mul3A_2, %mul3A_158 : i32
        %dma_wait3A_160 = tpu.memref_slice %arg3[%add3A_159] : memref<8388608xi32, #tpu.memory_space<hbm>> -> memref<8192xi32, #tpu.memory_space<hbm>>
        %dma_wait3A_161 = tpu.memref_slice %arg3[%add3A_159] : memref<8388608xi32, #tpu.memory_space<hbm>> -> memref<8192xi32, #tpu.memory_space<hbm>>
        tpu.wait_dma2 semaphore(%arg17 : memref<!tpu.dma_semaphore, #tpu.memory_space<semaphore_mem>>) src(%arg9 : memref<8192xi32, #tpu.memory_space<vmem>>) dst(%dma_wait3A_161 : memref<8192xi32, #tpu.memory_space<hbm>>)
      } else {
      }
      %scan3A_81 = arith.constant 0 : i32
      %scan3A_82 = arith.constant 0 : i32
      %scan3A_83 = arith.constant 64 : i32
      %scan3A_84 = arith.addi %scan3A_82, %scan3A_83 : i32
      %scan3A_85 = arith.constant 1 : i32
      scf.for %scan3A_156 = %scan3A_82 to %scan3A_84 step %scan3A_85  : i32 {
        %mul3A_157 = arith.constant 128 : i32
        %mul3A_158 = arith.muli %scan3A_156, %mul3A_157 : i32
        %add3A_159 = arith.constant 0 : i32
        %add3A_160 = arith.addi %mul3A_158, %add3A_159 : i32
        %get3A = arith.index_cast %add3A_160 : i32 to index
        %get3A_161 = tpu.vector_load %arg5[%get3A] {strides = array<i32>} : memref<8192xf32, #tpu.memory_space<vmem>>, vector<16xf32>,
        %get3A_162 = vector.shape_cast %get3A_161 : vector<16xf32> to vector<16xf32>
        %mul3A_163 = arith.mulf %get3A_162, %broadcast_in_dim3A_5 : vector<16xf32>
        %convert_element_type3A_164 = arith.fptosi %mul3A_163 : vector<16xf32> to vector<16xi32>
        %gt3A_165 = arith.constant 0.000000e+00 : f32
        %gt3A_166 = vector.broadcast %gt3A_165 : f32 to vector<16xf32>
        %gt3A_167 = arith.cmpf ogt, %mul3A_163, %gt3A_166 : vector<16xf32>
        %add3A_168 = arith.constant 1 : i32
        %add3A_169 = vector.broadcast %add3A_168 : i32 to vector<16xi32>
        %add3A_170 = arith.addi %convert_element_type3A_164, %add3A_169 : vector<16xi32>
        %select_n3A = arith.select %gt3A_167, %add3A_170, %convert_element_type3A_164 : vector<16xi1>, vector<16xi32>
        %max3A = arith.constant 0 : i32
        %max3A_171 = vector.broadcast %max3A : i32 to vector<16xi32>
        %max3A_172 = arith.maxsi %select_n3A, %max3A_171 : vector<16xi32>
        %min3A = arith.constant 256 : i32
        %min3A_173 = vector.broadcast %min3A : i32 to vector<16xi32>
        %min3A_174 = arith.minsi %max3A_172, %min3A_173 : vector<16xi32>
        %add3A_175 = arith.constant 0 : i32
        %add3A_176 = arith.addi %mul3A_158, %add3A_175 : i32
        %swap3A = arith.index_cast %add3A_176 : i32 to index
        %swap3A_177 = tpu.vector_load %arg9[%swap3A] {strides = array<i32>} : memref<8192xi32, #tpu.memory_space<vmem>>, vector<16xi32>,
        %swap3A_178 = vector.shape_cast %swap3A_177 : vector<16xi32> to vector<16xi32>
        %swap3A_179 = vector.shape_cast %min3A_174 : vector<16xi32> to vector<16xi32>
        tpu.vector_store %arg9[%swap3A], %swap3A_179 {strides = array<i32>} : memref<8192xi32, #tpu.memory_space<vmem>>, vector<16xi32>,
        %add3A_180 = arith.constant 16 : i32
        %add3A_181 = arith.addi %mul3A_158, %add3A_180 : i32
        %get3A_182 = arith.index_cast %add3A_181 : i32 to index
        %get3A_183 = tpu.vector_load %arg5[%get3A_182] {strides = array<i32>} : memref<8192xf32, #tpu.memory_space<vmem>>, vector<16xf32>,
        %get3A_184 = vector.shape_cast %get3A_183 : vector<16xf32> to vector<16xf32>
        %mul3A_185 = arith.mulf %get3A_184, %broadcast_in_dim3A_5 : vector<16xf32>
        %convert_element_type3A_186 = arith.fptosi %mul3A_185 : vector<16xf32> to vector<16xi32>
        %gt3A_187 = arith.constant 0.000000e+00 : f32
        %gt3A_188 = vector.broadcast %gt3A_187 : f32 to vector<16xf32>
        %gt3A_189 = arith.cmpf ogt, %mul3A_185, %gt3A_188 : vector<16xf32>
        %add3A_190 = arith.constant 1 : i32
        %add3A_191 = vector.broadcast %add3A_190 : i32 to vector<16xi32>
        %add3A_192 = arith.addi %convert_element_type3A_186, %add3A_191 : vector<16xi32>
        %select_n3A_193 = arith.select %gt3A_189, %add3A_192, %convert_element_type3A_186 : vector<16xi1>, vector<16xi32>
        %max3A_194 = arith.constant 0 : i32
        %max3A_195 = vector.broadcast %max3A_194 : i32 to vector<16xi32>
        %max3A_196 = arith.maxsi %select_n3A_193, %max3A_195 : vector<16xi32>
        %min3A_197 = arith.constant 256 : i32
        %min3A_198 = vector.broadcast %min3A_197 : i32 to vector<16xi32>
        %min3A_199 = arith.minsi %max3A_196, %min3A_198 : vector<16xi32>
        %add3A_200 = arith.constant 16 : i32
        %add3A_201 = arith.addi %mul3A_158, %add3A_200 : i32
        %swap3A_202 = arith.index_cast %add3A_201 : i32 to index
        %swap3A_203 = tpu.vector_load %arg9[%swap3A_202] {strides = array<i32>} : memref<8192xi32, #tpu.memory_space<vmem>>, vector<16xi32>,
        %swap3A_204 = vector.shape_cast %swap3A_203 : vector<16xi32> to vector<16xi32>
        %swap3A_205 = vector.shape_cast %min3A_199 : vector<16xi32> to vector<16xi32>
        tpu.vector_store %arg9[%swap3A_202], %swap3A_205 {strides = array<i32>} : memref<8192xi32, #tpu.memory_space<vmem>>, vector<16xi32>,
        %add3A_206 = arith.constant 32 : i32
        %add3A_207 = arith.addi %mul3A_158, %add3A_206 : i32
        %get3A_208 = arith.index_cast %add3A_207 : i32 to index
        %get3A_209 = tpu.vector_load %arg5[%get3A_208] {strides = array<i32>} : memref<8192xf32, #tpu.memory_space<vmem>>, vector<16xf32>,
        %get3A_210 = vector.shape_cast %get3A_209 : vector<16xf32> to vector<16xf32>
        %mul3A_211 = arith.mulf %get3A_210, %broadcast_in_dim3A_5 : vector<16xf32>
        %convert_element_type3A_212 = arith.fptosi %mul3A_211 : vector<16xf32> to vector<16xi32>
        %gt3A_213 = arith.constant 0.000000e+00 : f32
        %gt3A_214 = vector.broadcast %gt3A_213 : f32 to vector<16xf32>
        %gt3A_215 = arith.cmpf ogt, %mul3A_211, %gt3A_214 : vector<16xf32>
        %add3A_216 = arith.constant 1 : i32
        %add3A_217 = vector.broadcast %add3A_216 : i32 to vector<16xi32>
        %add3A_218 = arith.addi %convert_element_type3A_212, %add3A_217 : vector<16xi32>
        %select_n3A_219 = arith.select %gt3A_215, %add3A_218, %convert_element_type3A_212 : vector<16xi1>, vector<16xi32>
        %max3A_220 = arith.constant 0 : i32
        %max3A_221 = vector.broadcast %max3A_220 : i32 to vector<16xi32>
        %max3A_222 = arith.maxsi %select_n3A_219, %max3A_221 : vector<16xi32>
        %min3A_223 = arith.constant 256 : i32
        %min3A_224 = vector.broadcast %min3A_223 : i32 to vector<16xi32>
        %min3A_225 = arith.minsi %max3A_222, %min3A_224 : vector<16xi32>
        %add3A_226 = arith.constant 32 : i32
        %add3A_227 = arith.addi %mul3A_158, %add3A_226 : i32
        %swap3A_228 = arith.index_cast %add3A_227 : i32 to index
        %swap3A_229 = tpu.vector_load %arg9[%swap3A_228] {strides = array<i32>} : memref<8192xi32, #tpu.memory_space<vmem>>, vector<16xi32>,
        %swap3A_230 = vector.shape_cast %swap3A_229 : vector<16xi32> to vector<16xi32>
        %swap3A_231 = vector.shape_cast %min3A_225 : vector<16xi32> to vector<16xi32>
        tpu.vector_store %arg9[%swap3A_228], %swap3A_231 {strides = array<i32>} : memref<8192xi32, #tpu.memory_space<vmem>>, vector<16xi32>,
        %add3A_232 = arith.constant 48 : i32
        %add3A_233 = arith.addi %mul3A_158, %add3A_232 : i32
        %get3A_234 = arith.index_cast %add3A_233 : i32 to index
        %get3A_235 = tpu.vector_load %arg5[%get3A_234] {strides = array<i32>} : memref<8192xf32, #tpu.memory_space<vmem>>, vector<16xf32>,
        %get3A_236 = vector.shape_cast %get3A_235 : vector<16xf32> to vector<16xf32>
        %mul3A_237 = arith.mulf %get3A_236, %broadcast_in_dim3A_5 : vector<16xf32>
        %convert_element_type3A_238 = arith.fptosi %mul3A_237 : vector<16xf32> to vector<16xi32>
        %gt3A_239 = arith.constant 0.000000e+00 : f32
        %gt3A_240 = vector.broadcast %gt3A_239 : f32 to vector<16xf32>
        %gt3A_241 = arith.cmpf ogt, %mul3A_237, %gt3A_240 : vector<16xf32>
        %add3A_242 = arith.constant 1 : i32
        %add3A_243 = vector.broadcast %add3A_242 : i32 to vector<16xi32>
        %add3A_244 = arith.addi %convert_element_type3A_238, %add3A_243 : vector<16xi32>
        %select_n3A_245 = arith.select %gt3A_241, %add3A_244, %convert_element_type3A_238 : vector<16xi1>, vector<16xi32>
        %max3A_246 = arith.constant 0 : i32
        %max3A_247 = vector.broadcast %max3A_246 : i32 to vector<16xi32>
        %max3A_248 = arith.maxsi %select_n3A_245, %max3A_247 : vector<16xi32>
        %min3A_249 = arith.constant 256 : i32
        %min3A_250 = vector.broadcast %min3A_249 : i32 to vector<16xi32>
        %min3A_251 = arith.minsi %max3A_248, %min3A_250 : vector<16xi32>
        %add3A_252 = arith.constant 48 : i32
        %add3A_253 = arith.addi %mul3A_158, %add3A_252 : i32
        %swap3A_254 = arith.index_cast %add3A_253 : i32 to index
        %swap3A_255 = tpu.vector_load %arg9[%swap3A_254] {strides = array<i32>} : memref<8192xi32, #tpu.memory_space<vmem>>, vector<16xi32>,
        %swap3A_256 = vector.shape_cast %swap3A_255 : vector<16xi32> to vector<16xi32>
        %swap3A_257 = vector.shape_cast %min3A_251 : vector<16xi32> to vector<16xi32>
        tpu.vector_store %arg9[%swap3A_254], %swap3A_257 {strides = array<i32>} : memref<8192xi32, #tpu.memory_space<vmem>>, vector<16xi32>,
        %add3A_258 = arith.constant 64 : i32
        %add3A_259 = arith.addi %mul3A_158, %add3A_258 : i32
        %get3A_260 = arith.index_cast %add3A_259 : i32 to index
        %get3A_261 = tpu.vector_load %arg5[%get3A_260] {strides = array<i32>} : memref<8192xf32, #tpu.memory_space<vmem>>, vector<16xf32>,
        %get3A_262 = vector.shape_cast %get3A_261 : vector<16xf32> to vector<16xf32>
        %mul3A_263 = arith.mulf %get3A_262, %broadcast_in_dim3A_5 : vector<16xf32>
        %convert_element_type3A_264 = arith.fptosi %mul3A_263 : vector<16xf32> to vector<16xi32>
        %gt3A_265 = arith.constant 0.000000e+00 : f32
        %gt3A_266 = vector.broadcast %gt3A_265 : f32 to vector<16xf32>
        %gt3A_267 = arith.cmpf ogt, %mul3A_263, %gt3A_266 : vector<16xf32>
        %add3A_268 = arith.constant 1 : i32
        %add3A_269 = vector.broadcast %add3A_268 : i32 to vector<16xi32>
        %add3A_270 = arith.addi %convert_element_type3A_264, %add3A_269 : vector<16xi32>
        %select_n3A_271 = arith.select %gt3A_267, %add3A_270, %convert_element_type3A_264 : vector<16xi1>, vector<16xi32>
        %max3A_272 = arith.constant 0 : i32
        %max3A_273 = vector.broadcast %max3A_272 : i32 to vector<16xi32>
        %max3A_274 = arith.maxsi %select_n3A_271, %max3A_273 : vector<16xi32>
        %min3A_275 = arith.constant 256 : i32
        %min3A_276 = vector.broadcast %min3A_275 : i32 to vector<16xi32>
        %min3A_277 = arith.minsi %max3A_274, %min3A_276 : vector<16xi32>
        %add3A_278 = arith.constant 64 : i32
        %add3A_279 = arith.addi %mul3A_158, %add3A_278 : i32
        %swap3A_280 = arith.index_cast %add3A_279 : i32 to index
        %swap3A_281 = tpu.vector_load %arg9[%swap3A_280] {strides = array<i32>} : memref<8192xi32, #tpu.memory_space<vmem>>, vector<16xi32>,
        %swap3A_282 = vector.shape_cast %swap3A_281 : vector<16xi32> to vector<16xi32>
        %swap3A_283 = vector.shape_cast %min3A_277 : vector<16xi32> to vector<16xi32>
        tpu.vector_store %arg9[%swap3A_280], %swap3A_283 {strides = array<i32>} : memref<8192xi32, #tpu.memory_space<vmem>>, vector<16xi32>,
        %add3A_284 = arith.constant 80 : i32
        %add3A_285 = arith.addi %mul3A_158, %add3A_284 : i32
        %get3A_286 = arith.index_cast %add3A_285 : i32 to index
        %get3A_287 = tpu.vector_load %arg5[%get3A_286] {strides = array<i32>} : memref<8192xf32, #tpu.memory_space<vmem>>, vector<16xf32>,
        %get3A_288 = vector.shape_cast %get3A_287 : vector<16xf32> to vector<16xf32>
        %mul3A_289 = arith.mulf %get3A_288, %broadcast_in_dim3A_5 : vector<16xf32>
        %convert_element_type3A_290 = arith.fptosi %mul3A_289 : vector<16xf32> to vector<16xi32>
        %gt3A_291 = arith.constant 0.000000e+00 : f32
        %gt3A_292 = vector.broadcast %gt3A_291 : f32 to vector<16xf32>
        %gt3A_293 = arith.cmpf ogt, %mul3A_289, %gt3A_292 : vector<16xf32>
        %add3A_294 = arith.constant 1 : i32
        %add3A_295 = vector.broadcast %add3A_294 : i32 to vector<16xi32>
        %add3A_296 = arith.addi %convert_element_type3A_290, %add3A_295 : vector<16xi32>
        %select_n3A_297 = arith.select %gt3A_293, %add3A_296, %convert_element_type3A_290 : vector<16xi1>, vector<16xi32>
        %max3A_298 = arith.constant 0 : i32
        %max3A_299 = vector.broadcast %max3A_298 : i32 to vector<16xi32>
        %max3A_300 = arith.maxsi %select_n3A_297, %max3A_299 : vector<16xi32>
        %min3A_301 = arith.constant 256 : i32
        %min3A_302 = vector.broadcast %min3A_301 : i32 to vector<16xi32>
        %min3A_303 = arith.minsi %max3A_300, %min3A_302 : vector<16xi32>
        %add3A_304 = arith.constant 80 : i32
        %add3A_305 = arith.addi %mul3A_158, %add3A_304 : i32
        %swap3A_306 = arith.index_cast %add3A_305 : i32 to index
        %swap3A_307 = tpu.vector_load %arg9[%swap3A_306] {strides = array<i32>} : memref<8192xi32, #tpu.memory_space<vmem>>, vector<16xi32>,
        %swap3A_308 = vector.shape_cast %swap3A_307 : vector<16xi32> to vector<16xi32>
        %swap3A_309 = vector.shape_cast %min3A_303 : vector<16xi32> to vector<16xi32>
        tpu.vector_store %arg9[%swap3A_306], %swap3A_309 {strides = array<i32>} : memref<8192xi32, #tpu.memory_space<vmem>>, vector<16xi32>,
        %add3A_310 = arith.constant 96 : i32
        %add3A_311 = arith.addi %mul3A_158, %add3A_310 : i32
        %get3A_312 = arith.index_cast %add3A_311 : i32 to index
        %get3A_313 = tpu.vector_load %arg5[%get3A_312] {strides = array<i32>} : memref<8192xf32, #tpu.memory_space<vmem>>, vector<16xf32>,
        %get3A_314 = vector.shape_cast %get3A_313 : vector<16xf32> to vector<16xf32>
        %mul3A_315 = arith.mulf %get3A_314, %broadcast_in_dim3A_5 : vector<16xf32>
        %convert_element_type3A_316 = arith.fptosi %mul3A_315 : vector<16xf32> to vector<16xi32>
        %gt3A_317 = arith.constant 0.000000e+00 : f32
        %gt3A_318 = vector.broadcast %gt3A_317 : f32 to vector<16xf32>
        %gt3A_319 = arith.cmpf ogt, %mul3A_315, %gt3A_318 : vector<16xf32>
        %add3A_320 = arith.constant 1 : i32
        %add3A_321 = vector.broadcast %add3A_320 : i32 to vector<16xi32>
        %add3A_322 = arith.addi %convert_element_type3A_316, %add3A_321 : vector<16xi32>
        %select_n3A_323 = arith.select %gt3A_319, %add3A_322, %convert_element_type3A_316 : vector<16xi1>, vector<16xi32>
        %max3A_324 = arith.constant 0 : i32
        %max3A_325 = vector.broadcast %max3A_324 : i32 to vector<16xi32>
        %max3A_326 = arith.maxsi %select_n3A_323, %max3A_325 : vector<16xi32>
        %min3A_327 = arith.constant 256 : i32
        %min3A_328 = vector.broadcast %min3A_327 : i32 to vector<16xi32>
        %min3A_329 = arith.minsi %max3A_326, %min3A_328 : vector<16xi32>
        %add3A_330 = arith.constant 96 : i32
        %add3A_331 = arith.addi %mul3A_158, %add3A_330 : i32
        %swap3A_332 = arith.index_cast %add3A_331 : i32 to index
        %swap3A_333 = tpu.vector_load %arg9[%swap3A_332] {strides = array<i32>} : memref<8192xi32, #tpu.memory_space<vmem>>, vector<16xi32>,
        %swap3A_334 = vector.shape_cast %swap3A_333 : vector<16xi32> to vector<16xi32>
        %swap3A_335 = vector.shape_cast %min3A_329 : vector<16xi32> to vector<16xi32>
        tpu.vector_store %arg9[%swap3A_332], %swap3A_335 {strides = array<i32>} : memref<8192xi32, #tpu.memory_space<vmem>>, vector<16xi32>,
        %add3A_336 = arith.constant 112 : i32
        %add3A_337 = arith.addi %mul3A_158, %add3A_336 : i32
        %get3A_338 = arith.index_cast %add3A_337 : i32 to index
        %get3A_339 = tpu.vector_load %arg5[%get3A_338] {strides = array<i32>} : memref<8192xf32, #tpu.memory_space<vmem>>, vector<16xf32>,
        %get3A_340 = vector.shape_cast %get3A_339 : vector<16xf32> to vector<16xf32>
        %mul3A_341 = arith.mulf %get3A_340, %broadcast_in_dim3A_5 : vector<16xf32>
        %convert_element_type3A_342 = arith.fptosi %mul3A_341 : vector<16xf32> to vector<16xi32>
        %gt3A_343 = arith.constant 0.000000e+00 : f32
        %gt3A_344 = vector.broadcast %gt3A_343 : f32 to vector<16xf32>
        %gt3A_345 = arith.cmpf ogt, %mul3A_341, %gt3A_344 : vector<16xf32>
        %add3A_346 = arith.constant 1 : i32
        %add3A_347 = vector.broadcast %add3A_346 : i32 to vector<16xi32>
        %add3A_348 = arith.addi %convert_element_type3A_342, %add3A_347 : vector<16xi32>
        %select_n3A_349 = arith.select %gt3A_345, %add3A_348, %convert_element_type3A_342 : vector<16xi1>, vector<16xi32>
        %max3A_350 = arith.constant 0 : i32
        %max3A_351 = vector.broadcast %max3A_350 : i32 to vector<16xi32>
        %max3A_352 = arith.maxsi %select_n3A_349, %max3A_351 : vector<16xi32>
        %min3A_353 = arith.constant 256 : i32
        %min3A_354 = vector.broadcast %min3A_353 : i32 to vector<16xi32>
        %min3A_355 = arith.minsi %max3A_352, %min3A_354 : vector<16xi32>
        %add3A_356 = arith.constant 112 : i32
        %add3A_357 = arith.addi %mul3A_158, %add3A_356 : i32
        %swap3A_358 = arith.index_cast %add3A_357 : i32 to index
        %swap3A_359 = tpu.vector_load %arg9[%swap3A_358] {strides = array<i32>} : memref<8192xi32, #tpu.memory_space<vmem>>, vector<16xi32>,
        %swap3A_360 = vector.shape_cast %swap3A_359 : vector<16xi32> to vector<16xi32>
        %swap3A_361 = vector.shape_cast %min3A_355 : vector<16xi32> to vector<16xi32>
        tpu.vector_store %arg9[%swap3A_358], %swap3A_361 {strides = array<i32>} : memref<8192xi32, #tpu.memory_space<vmem>>, vector<16xi32>,
      }
      %scan3A_86 = arith.constant 64 : i32
      %mul3A_87 = arith.constant 8192 : i32
      %mul3A_88 = arith.muli %add3A_70, %mul3A_87 : i32
      %add3A_89 = arith.addi %mul3A_2, %mul3A_88 : i32
      %dma_start3A_90 = tpu.memref_slice %arg3[%add3A_89] : memref<8388608xi32, #tpu.memory_space<hbm>> -> memref<8192xi32, #tpu.memory_space<hbm>>
      %dma_start3A_91 = tpu.memref_slice %arg3[%add3A_89] : memref<8388608xi32, #tpu.memory_space<hbm>> -> memref<8192xi32, #tpu.memory_space<hbm>>
      tpu.enqueue_dma source(%arg9 : memref<8192xi32, #tpu.memory_space<vmem>>) target(%dma_start3A_91 : memref<8192xi32, #tpu.memory_space<hbm>>) target_semaphore(%arg17 : memref<!tpu.dma_semaphore, #tpu.memory_space<semaphore_mem>>)
      %lt3A = arith.constant 7 : i32
      %lt3A_92 = arith.cmpi slt, %scan3A_37, %lt3A : i32
      %convert_element_type3A_93 = arith.extui %lt3A_92 : i1 to i32
      %cond3A_94 = arith.constant 0 : i32
      %cond3A_95 = arith.cmpi ne, %convert_element_type3A_93, %cond3A_94 : i32
      scf.if %cond3A_95 {
        %add3A_156 = arith.constant 3 : i32
        %add3A_157 = arith.addi %add3A_70, %add3A_156 : i32
        %mul3A_158 = arith.constant 8192 : i32
        %mul3A_159 = arith.muli %add3A_157, %mul3A_158 : i32
        %add3A_160 = arith.addi %add3A_4, %mul3A_159 : i32
        %dma_start3A_161 = tpu.memref_slice %arg2[%add3A_160] : memref<33554432xf32, #tpu.memory_space<hbm>> -> memref<8192xf32, #tpu.memory_space<hbm>>
        %dma_start3A_162 = tpu.memref_slice %arg2[%add3A_160] : memref<33554432xf32, #tpu.memory_space<hbm>> -> memref<8192xf32, #tpu.memory_space<hbm>>
        tpu.enqueue_dma source(%dma_start3A_162 : memref<8192xf32, #tpu.memory_space<hbm>>) target(%arg4 : memref<8192xf32, #tpu.memory_space<vmem>>) target_semaphore(%arg12 : memref<!tpu.dma_semaphore, #tpu.memory_space<semaphore_mem>>)
      } else {
      }
      %mul3A_96 = arith.constant 4 : i32
      %mul3A_97 = arith.muli %scan3A_37, %mul3A_96 : i32
      %add3A_98 = arith.constant 2 : i32
      %add3A_99 = arith.addi %mul3A_97, %add3A_98 : i32
      %mul3A_100 = arith.constant 8192 : i32
      %mul3A_101 = arith.muli %add3A_99, %mul3A_100 : i32
      %add3A_102 = arith.addi %add3A_4, %mul3A_101 : i32
      %dma_wait3A_103 = tpu.memref_slice %arg2[%add3A_102] : memref<33554432xf32, #tpu.memory_space<hbm>> -> memref<8192xf32, #tpu.memory_space<hbm>>
      %dma_wait3A_104 = tpu.memref_slice %arg2[%add3A_102] : memref<33554432xf32, #tpu.memory_space<hbm>> -> memref<8192xf32, #tpu.memory_space<hbm>>
      tpu.wait_dma2 semaphore(%arg14 : memref<!tpu.dma_semaphore, #tpu.memory_space<semaphore_mem>>) src(%dma_wait3A_104 : memref<8192xf32, #tpu.memory_space<hbm>>) dst(%arg6 : memref<8192xf32, #tpu.memory_space<vmem>>)
      %gt3A_105 = arith.constant 0 : i32
      %gt3A_106 = arith.cmpi sgt, %scan3A_37, %gt3A_105 : i32
      %convert_element_type3A_107 = arith.extui %gt3A_106 : i1 to i32
      %cond3A_108 = arith.constant 0 : i32
      %cond3A_109 = arith.cmpi ne, %convert_element_type3A_107, %cond3A_108 : i32
      scf.if %cond3A_109 {
        %sub3A = arith.constant 4 : i32
        %sub3A_156 = arith.subi %add3A_99, %sub3A : i32
        %mul3A_157 = arith.constant 8192 : i32
        %mul3A_158 = arith.muli %sub3A_156, %mul3A_157 : i32
        %add3A_159 = arith.addi %mul3A_2, %mul3A_158 : i32
        %dma_wait3A_160 = tpu.memref_slice %arg3[%add3A_159] : memref<8388608xi32, #tpu.memory_space<hbm>> -> memref<8192xi32, #tpu.memory_space<hbm>>
        %dma_wait3A_161 = tpu.memref_slice %arg3[%add3A_159] : memref<8388608xi32, #tpu.memory_space<hbm>> -> memref<8192xi32, #tpu.memory_space<hbm>>
        tpu.wait_dma2 semaphore(%arg18 : memref<!tpu.dma_semaphore, #tpu.memory_space<semaphore_mem>>) src(%arg10 : memref<8192xi32, #tpu.memory_space<vmem>>) dst(%dma_wait3A_161 : memref<8192xi32, #tpu.memory_space<hbm>>)
      } else {
      }
      %scan3A_110 = arith.constant 0 : i32
      %scan3A_111 = arith.constant 0 : i32
      %scan3A_112 = arith.constant 64 : i32
      %scan3A_113 = arith.addi %scan3A_111, %scan3A_112 : i32
      %scan3A_114 = arith.constant 1 : i32
      scf.for %scan3A_156 = %scan3A_111 to %scan3A_113 step %scan3A_114  : i32 {
        %mul3A_157 = arith.constant 128 : i32
        %mul3A_158 = arith.muli %scan3A_156, %mul3A_157 : i32
        %add3A_159 = arith.constant 0 : i32
        %add3A_160 = arith.addi %mul3A_158, %add3A_159 : i32
        %get3A = arith.index_cast %add3A_160 : i32 to index
        %get3A_161 = tpu.vector_load %arg6[%get3A] {strides = array<i32>} : memref<8192xf32, #tpu.memory_space<vmem>>, vector<16xf32>,
        %get3A_162 = vector.shape_cast %get3A_161 : vector<16xf32> to vector<16xf32>
        %mul3A_163 = arith.mulf %get3A_162, %broadcast_in_dim3A_5 : vector<16xf32>
        %convert_element_type3A_164 = arith.fptosi %mul3A_163 : vector<16xf32> to vector<16xi32>
        %gt3A_165 = arith.constant 0.000000e+00 : f32
        %gt3A_166 = vector.broadcast %gt3A_165 : f32 to vector<16xf32>
        %gt3A_167 = arith.cmpf ogt, %mul3A_163, %gt3A_166 : vector<16xf32>
        %add3A_168 = arith.constant 1 : i32
        %add3A_169 = vector.broadcast %add3A_168 : i32 to vector<16xi32>
        %add3A_170 = arith.addi %convert_element_type3A_164, %add3A_169 : vector<16xi32>
        %select_n3A = arith.select %gt3A_167, %add3A_170, %convert_element_type3A_164 : vector<16xi1>, vector<16xi32>
        %max3A = arith.constant 0 : i32
        %max3A_171 = vector.broadcast %max3A : i32 to vector<16xi32>
        %max3A_172 = arith.maxsi %select_n3A, %max3A_171 : vector<16xi32>
        %min3A = arith.constant 256 : i32
        %min3A_173 = vector.broadcast %min3A : i32 to vector<16xi32>
        %min3A_174 = arith.minsi %max3A_172, %min3A_173 : vector<16xi32>
        %add3A_175 = arith.constant 0 : i32
        %add3A_176 = arith.addi %mul3A_158, %add3A_175 : i32
        %swap3A = arith.index_cast %add3A_176 : i32 to index
        %swap3A_177 = tpu.vector_load %arg10[%swap3A] {strides = array<i32>} : memref<8192xi32, #tpu.memory_space<vmem>>, vector<16xi32>,
        %swap3A_178 = vector.shape_cast %swap3A_177 : vector<16xi32> to vector<16xi32>
        %swap3A_179 = vector.shape_cast %min3A_174 : vector<16xi32> to vector<16xi32>
        tpu.vector_store %arg10[%swap3A], %swap3A_179 {strides = array<i32>} : memref<8192xi32, #tpu.memory_space<vmem>>, vector<16xi32>,
        %add3A_180 = arith.constant 16 : i32
        %add3A_181 = arith.addi %mul3A_158, %add3A_180 : i32
        %get3A_182 = arith.index_cast %add3A_181 : i32 to index
        %get3A_183 = tpu.vector_load %arg6[%get3A_182] {strides = array<i32>} : memref<8192xf32, #tpu.memory_space<vmem>>, vector<16xf32>,
        %get3A_184 = vector.shape_cast %get3A_183 : vector<16xf32> to vector<16xf32>
        %mul3A_185 = arith.mulf %get3A_184, %broadcast_in_dim3A_5 : vector<16xf32>
        %convert_element_type3A_186 = arith.fptosi %mul3A_185 : vector<16xf32> to vector<16xi32>
        %gt3A_187 = arith.constant 0.000000e+00 : f32
        %gt3A_188 = vector.broadcast %gt3A_187 : f32 to vector<16xf32>
        %gt3A_189 = arith.cmpf ogt, %mul3A_185, %gt3A_188 : vector<16xf32>
        %add3A_190 = arith.constant 1 : i32
        %add3A_191 = vector.broadcast %add3A_190 : i32 to vector<16xi32>
        %add3A_192 = arith.addi %convert_element_type3A_186, %add3A_191 : vector<16xi32>
        %select_n3A_193 = arith.select %gt3A_189, %add3A_192, %convert_element_type3A_186 : vector<16xi1>, vector<16xi32>
        %max3A_194 = arith.constant 0 : i32
        %max3A_195 = vector.broadcast %max3A_194 : i32 to vector<16xi32>
        %max3A_196 = arith.maxsi %select_n3A_193, %max3A_195 : vector<16xi32>
        %min3A_197 = arith.constant 256 : i32
        %min3A_198 = vector.broadcast %min3A_197 : i32 to vector<16xi32>
        %min3A_199 = arith.minsi %max3A_196, %min3A_198 : vector<16xi32>
        %add3A_200 = arith.constant 16 : i32
        %add3A_201 = arith.addi %mul3A_158, %add3A_200 : i32
        %swap3A_202 = arith.index_cast %add3A_201 : i32 to index
        %swap3A_203 = tpu.vector_load %arg10[%swap3A_202] {strides = array<i32>} : memref<8192xi32, #tpu.memory_space<vmem>>, vector<16xi32>,
        %swap3A_204 = vector.shape_cast %swap3A_203 : vector<16xi32> to vector<16xi32>
        %swap3A_205 = vector.shape_cast %min3A_199 : vector<16xi32> to vector<16xi32>
        tpu.vector_store %arg10[%swap3A_202], %swap3A_205 {strides = array<i32>} : memref<8192xi32, #tpu.memory_space<vmem>>, vector<16xi32>,
        %add3A_206 = arith.constant 32 : i32
        %add3A_207 = arith.addi %mul3A_158, %add3A_206 : i32
        %get3A_208 = arith.index_cast %add3A_207 : i32 to index
        %get3A_209 = tpu.vector_load %arg6[%get3A_208] {strides = array<i32>} : memref<8192xf32, #tpu.memory_space<vmem>>, vector<16xf32>,
        %get3A_210 = vector.shape_cast %get3A_209 : vector<16xf32> to vector<16xf32>
        %mul3A_211 = arith.mulf %get3A_210, %broadcast_in_dim3A_5 : vector<16xf32>
        %convert_element_type3A_212 = arith.fptosi %mul3A_211 : vector<16xf32> to vector<16xi32>
        %gt3A_213 = arith.constant 0.000000e+00 : f32
        %gt3A_214 = vector.broadcast %gt3A_213 : f32 to vector<16xf32>
        %gt3A_215 = arith.cmpf ogt, %mul3A_211, %gt3A_214 : vector<16xf32>
        %add3A_216 = arith.constant 1 : i32
        %add3A_217 = vector.broadcast %add3A_216 : i32 to vector<16xi32>
        %add3A_218 = arith.addi %convert_element_type3A_212, %add3A_217 : vector<16xi32>
        %select_n3A_219 = arith.select %gt3A_215, %add3A_218, %convert_element_type3A_212 : vector<16xi1>, vector<16xi32>
        %max3A_220 = arith.constant 0 : i32
        %max3A_221 = vector.broadcast %max3A_220 : i32 to vector<16xi32>
        %max3A_222 = arith.maxsi %select_n3A_219, %max3A_221 : vector<16xi32>
        %min3A_223 = arith.constant 256 : i32
        %min3A_224 = vector.broadcast %min3A_223 : i32 to vector<16xi32>
        %min3A_225 = arith.minsi %max3A_222, %min3A_224 : vector<16xi32>
        %add3A_226 = arith.constant 32 : i32
        %add3A_227 = arith.addi %mul3A_158, %add3A_226 : i32
        %swap3A_228 = arith.index_cast %add3A_227 : i32 to index
        %swap3A_229 = tpu.vector_load %arg10[%swap3A_228] {strides = array<i32>} : memref<8192xi32, #tpu.memory_space<vmem>>, vector<16xi32>,
        %swap3A_230 = vector.shape_cast %swap3A_229 : vector<16xi32> to vector<16xi32>
        %swap3A_231 = vector.shape_cast %min3A_225 : vector<16xi32> to vector<16xi32>
        tpu.vector_store %arg10[%swap3A_228], %swap3A_231 {strides = array<i32>} : memref<8192xi32, #tpu.memory_space<vmem>>, vector<16xi32>,
        %add3A_232 = arith.constant 48 : i32
        %add3A_233 = arith.addi %mul3A_158, %add3A_232 : i32
        %get3A_234 = arith.index_cast %add3A_233 : i32 to index
        %get3A_235 = tpu.vector_load %arg6[%get3A_234] {strides = array<i32>} : memref<8192xf32, #tpu.memory_space<vmem>>, vector<16xf32>,
        %get3A_236 = vector.shape_cast %get3A_235 : vector<16xf32> to vector<16xf32>
        %mul3A_237 = arith.mulf %get3A_236, %broadcast_in_dim3A_5 : vector<16xf32>
        %convert_element_type3A_238 = arith.fptosi %mul3A_237 : vector<16xf32> to vector<16xi32>
        %gt3A_239 = arith.constant 0.000000e+00 : f32
        %gt3A_240 = vector.broadcast %gt3A_239 : f32 to vector<16xf32>
        %gt3A_241 = arith.cmpf ogt, %mul3A_237, %gt3A_240 : vector<16xf32>
        %add3A_242 = arith.constant 1 : i32
        %add3A_243 = vector.broadcast %add3A_242 : i32 to vector<16xi32>
        %add3A_244 = arith.addi %convert_element_type3A_238, %add3A_243 : vector<16xi32>
        %select_n3A_245 = arith.select %gt3A_241, %add3A_244, %convert_element_type3A_238 : vector<16xi1>, vector<16xi32>
        %max3A_246 = arith.constant 0 : i32
        %max3A_247 = vector.broadcast %max3A_246 : i32 to vector<16xi32>
        %max3A_248 = arith.maxsi %select_n3A_245, %max3A_247 : vector<16xi32>
        %min3A_249 = arith.constant 256 : i32
        %min3A_250 = vector.broadcast %min3A_249 : i32 to vector<16xi32>
        %min3A_251 = arith.minsi %max3A_248, %min3A_250 : vector<16xi32>
        %add3A_252 = arith.constant 48 : i32
        %add3A_253 = arith.addi %mul3A_158, %add3A_252 : i32
        %swap3A_254 = arith.index_cast %add3A_253 : i32 to index
        %swap3A_255 = tpu.vector_load %arg10[%swap3A_254] {strides = array<i32>} : memref<8192xi32, #tpu.memory_space<vmem>>, vector<16xi32>,
        %swap3A_256 = vector.shape_cast %swap3A_255 : vector<16xi32> to vector<16xi32>
        %swap3A_257 = vector.shape_cast %min3A_251 : vector<16xi32> to vector<16xi32>
        tpu.vector_store %arg10[%swap3A_254], %swap3A_257 {strides = array<i32>} : memref<8192xi32, #tpu.memory_space<vmem>>, vector<16xi32>,
        %add3A_258 = arith.constant 64 : i32
        %add3A_259 = arith.addi %mul3A_158, %add3A_258 : i32
        %get3A_260 = arith.index_cast %add3A_259 : i32 to index
        %get3A_261 = tpu.vector_load %arg6[%get3A_260] {strides = array<i32>} : memref<8192xf32, #tpu.memory_space<vmem>>, vector<16xf32>,
        %get3A_262 = vector.shape_cast %get3A_261 : vector<16xf32> to vector<16xf32>
        %mul3A_263 = arith.mulf %get3A_262, %broadcast_in_dim3A_5 : vector<16xf32>
        %convert_element_type3A_264 = arith.fptosi %mul3A_263 : vector<16xf32> to vector<16xi32>
        %gt3A_265 = arith.constant 0.000000e+00 : f32
        %gt3A_266 = vector.broadcast %gt3A_265 : f32 to vector<16xf32>
        %gt3A_267 = arith.cmpf ogt, %mul3A_263, %gt3A_266 : vector<16xf32>
        %add3A_268 = arith.constant 1 : i32
        %add3A_269 = vector.broadcast %add3A_268 : i32 to vector<16xi32>
        %add3A_270 = arith.addi %convert_element_type3A_264, %add3A_269 : vector<16xi32>
        %select_n3A_271 = arith.select %gt3A_267, %add3A_270, %convert_element_type3A_264 : vector<16xi1>, vector<16xi32>
        %max3A_272 = arith.constant 0 : i32
        %max3A_273 = vector.broadcast %max3A_272 : i32 to vector<16xi32>
        %max3A_274 = arith.maxsi %select_n3A_271, %max3A_273 : vector<16xi32>
        %min3A_275 = arith.constant 256 : i32
        %min3A_276 = vector.broadcast %min3A_275 : i32 to vector<16xi32>
        %min3A_277 = arith.minsi %max3A_274, %min3A_276 : vector<16xi32>
        %add3A_278 = arith.constant 64 : i32
        %add3A_279 = arith.addi %mul3A_158, %add3A_278 : i32
        %swap3A_280 = arith.index_cast %add3A_279 : i32 to index
        %swap3A_281 = tpu.vector_load %arg10[%swap3A_280] {strides = array<i32>} : memref<8192xi32, #tpu.memory_space<vmem>>, vector<16xi32>,
        %swap3A_282 = vector.shape_cast %swap3A_281 : vector<16xi32> to vector<16xi32>
        %swap3A_283 = vector.shape_cast %min3A_277 : vector<16xi32> to vector<16xi32>
        tpu.vector_store %arg10[%swap3A_280], %swap3A_283 {strides = array<i32>} : memref<8192xi32, #tpu.memory_space<vmem>>, vector<16xi32>,
        %add3A_284 = arith.constant 80 : i32
        %add3A_285 = arith.addi %mul3A_158, %add3A_284 : i32
        %get3A_286 = arith.index_cast %add3A_285 : i32 to index
        %get3A_287 = tpu.vector_load %arg6[%get3A_286] {strides = array<i32>} : memref<8192xf32, #tpu.memory_space<vmem>>, vector<16xf32>,
        %get3A_288 = vector.shape_cast %get3A_287 : vector<16xf32> to vector<16xf32>
        %mul3A_289 = arith.mulf %get3A_288, %broadcast_in_dim3A_5 : vector<16xf32>
        %convert_element_type3A_290 = arith.fptosi %mul3A_289 : vector<16xf32> to vector<16xi32>
        %gt3A_291 = arith.constant 0.000000e+00 : f32
        %gt3A_292 = vector.broadcast %gt3A_291 : f32 to vector<16xf32>
        %gt3A_293 = arith.cmpf ogt, %mul3A_289, %gt3A_292 : vector<16xf32>
        %add3A_294 = arith.constant 1 : i32
        %add3A_295 = vector.broadcast %add3A_294 : i32 to vector<16xi32>
        %add3A_296 = arith.addi %convert_element_type3A_290, %add3A_295 : vector<16xi32>
        %select_n3A_297 = arith.select %gt3A_293, %add3A_296, %convert_element_type3A_290 : vector<16xi1>, vector<16xi32>
        %max3A_298 = arith.constant 0 : i32
        %max3A_299 = vector.broadcast %max3A_298 : i32 to vector<16xi32>
        %max3A_300 = arith.maxsi %select_n3A_297, %max3A_299 : vector<16xi32>
        %min3A_301 = arith.constant 256 : i32
        %min3A_302 = vector.broadcast %min3A_301 : i32 to vector<16xi32>
        %min3A_303 = arith.minsi %max3A_300, %min3A_302 : vector<16xi32>
        %add3A_304 = arith.constant 80 : i32
        %add3A_305 = arith.addi %mul3A_158, %add3A_304 : i32
        %swap3A_306 = arith.index_cast %add3A_305 : i32 to index
        %swap3A_307 = tpu.vector_load %arg10[%swap3A_306] {strides = array<i32>} : memref<8192xi32, #tpu.memory_space<vmem>>, vector<16xi32>,
        %swap3A_308 = vector.shape_cast %swap3A_307 : vector<16xi32> to vector<16xi32>
        %swap3A_309 = vector.shape_cast %min3A_303 : vector<16xi32> to vector<16xi32>
        tpu.vector_store %arg10[%swap3A_306], %swap3A_309 {strides = array<i32>} : memref<8192xi32, #tpu.memory_space<vmem>>, vector<16xi32>,
        %add3A_310 = arith.constant 96 : i32
        %add3A_311 = arith.addi %mul3A_158, %add3A_310 : i32
        %get3A_312 = arith.index_cast %add3A_311 : i32 to index
        %get3A_313 = tpu.vector_load %arg6[%get3A_312] {strides = array<i32>} : memref<8192xf32, #tpu.memory_space<vmem>>, vector<16xf32>,
        %get3A_314 = vector.shape_cast %get3A_313 : vector<16xf32> to vector<16xf32>
        %mul3A_315 = arith.mulf %get3A_314, %broadcast_in_dim3A_5 : vector<16xf32>
        %convert_element_type3A_316 = arith.fptosi %mul3A_315 : vector<16xf32> to vector<16xi32>
        %gt3A_317 = arith.constant 0.000000e+00 : f32
        %gt3A_318 = vector.broadcast %gt3A_317 : f32 to vector<16xf32>
        %gt3A_319 = arith.cmpf ogt, %mul3A_315, %gt3A_318 : vector<16xf32>
        %add3A_320 = arith.constant 1 : i32
        %add3A_321 = vector.broadcast %add3A_320 : i32 to vector<16xi32>
        %add3A_322 = arith.addi %convert_element_type3A_316, %add3A_321 : vector<16xi32>
        %select_n3A_323 = arith.select %gt3A_319, %add3A_322, %convert_element_type3A_316 : vector<16xi1>, vector<16xi32>
        %max3A_324 = arith.constant 0 : i32
        %max3A_325 = vector.broadcast %max3A_324 : i32 to vector<16xi32>
        %max3A_326 = arith.maxsi %select_n3A_323, %max3A_325 : vector<16xi32>
        %min3A_327 = arith.constant 256 : i32
        %min3A_328 = vector.broadcast %min3A_327 : i32 to vector<16xi32>
        %min3A_329 = arith.minsi %max3A_326, %min3A_328 : vector<16xi32>
        %add3A_330 = arith.constant 96 : i32
        %add3A_331 = arith.addi %mul3A_158, %add3A_330 : i32
        %swap3A_332 = arith.index_cast %add3A_331 : i32 to index
        %swap3A_333 = tpu.vector_load %arg10[%swap3A_332] {strides = array<i32>} : memref<8192xi32, #tpu.memory_space<vmem>>, vector<16xi32>,
        %swap3A_334 = vector.shape_cast %swap3A_333 : vector<16xi32> to vector<16xi32>
        %swap3A_335 = vector.shape_cast %min3A_329 : vector<16xi32> to vector<16xi32>
        tpu.vector_store %arg10[%swap3A_332], %swap3A_335 {strides = array<i32>} : memref<8192xi32, #tpu.memory_space<vmem>>, vector<16xi32>,
        %add3A_336 = arith.constant 112 : i32
        %add3A_337 = arith.addi %mul3A_158, %add3A_336 : i32
        %get3A_338 = arith.index_cast %add3A_337 : i32 to index
        %get3A_339 = tpu.vector_load %arg6[%get3A_338] {strides = array<i32>} : memref<8192xf32, #tpu.memory_space<vmem>>, vector<16xf32>,
        %get3A_340 = vector.shape_cast %get3A_339 : vector<16xf32> to vector<16xf32>
        %mul3A_341 = arith.mulf %get3A_340, %broadcast_in_dim3A_5 : vector<16xf32>
        %convert_element_type3A_342 = arith.fptosi %mul3A_341 : vector<16xf32> to vector<16xi32>
        %gt3A_343 = arith.constant 0.000000e+00 : f32
        %gt3A_344 = vector.broadcast %gt3A_343 : f32 to vector<16xf32>
        %gt3A_345 = arith.cmpf ogt, %mul3A_341, %gt3A_344 : vector<16xf32>
        %add3A_346 = arith.constant 1 : i32
        %add3A_347 = vector.broadcast %add3A_346 : i32 to vector<16xi32>
        %add3A_348 = arith.addi %convert_element_type3A_342, %add3A_347 : vector<16xi32>
        %select_n3A_349 = arith.select %gt3A_345, %add3A_348, %convert_element_type3A_342 : vector<16xi1>, vector<16xi32>
        %max3A_350 = arith.constant 0 : i32
        %max3A_351 = vector.broadcast %max3A_350 : i32 to vector<16xi32>
        %max3A_352 = arith.maxsi %select_n3A_349, %max3A_351 : vector<16xi32>
        %min3A_353 = arith.constant 256 : i32
        %min3A_354 = vector.broadcast %min3A_353 : i32 to vector<16xi32>
        %min3A_355 = arith.minsi %max3A_352, %min3A_354 : vector<16xi32>
        %add3A_356 = arith.constant 112 : i32
        %add3A_357 = arith.addi %mul3A_158, %add3A_356 : i32
        %swap3A_358 = arith.index_cast %add3A_357 : i32 to index
        %swap3A_359 = tpu.vector_load %arg10[%swap3A_358] {strides = array<i32>} : memref<8192xi32, #tpu.memory_space<vmem>>, vector<16xi32>,
        %swap3A_360 = vector.shape_cast %swap3A_359 : vector<16xi32> to vector<16xi32>
        %swap3A_361 = vector.shape_cast %min3A_355 : vector<16xi32> to vector<16xi32>
        tpu.vector_store %arg10[%swap3A_358], %swap3A_361 {strides = array<i32>} : memref<8192xi32, #tpu.memory_space<vmem>>, vector<16xi32>,
      }
      %scan3A_115 = arith.constant 64 : i32
      %mul3A_116 = arith.constant 8192 : i32
      %mul3A_117 = arith.muli %add3A_99, %mul3A_116 : i32
      %add3A_118 = arith.addi %mul3A_2, %mul3A_117 : i32
      %dma_start3A_119 = tpu.memref_slice %arg3[%add3A_118] : memref<8388608xi32, #tpu.memory_space<hbm>> -> memref<8192xi32, #tpu.memory_space<hbm>>
      %dma_start3A_120 = tpu.memref_slice %arg3[%add3A_118] : memref<8388608xi32, #tpu.memory_space<hbm>> -> memref<8192xi32, #tpu.memory_space<hbm>>
      tpu.enqueue_dma source(%arg10 : memref<8192xi32, #tpu.memory_space<vmem>>) target(%dma_start3A_120 : memref<8192xi32, #tpu.memory_space<hbm>>) target_semaphore(%arg18 : memref<!tpu.dma_semaphore, #tpu.memory_space<semaphore_mem>>)
      %lt3A_121 = arith.constant 7 : i32
      %lt3A_122 = arith.cmpi slt, %scan3A_37, %lt3A_121 : i32
      %convert_element_type3A_123 = arith.extui %lt3A_122 : i1 to i32
      %cond3A_124 = arith.constant 0 : i32
      %cond3A_125 = arith.cmpi ne, %convert_element_type3A_123, %cond3A_124 : i32
      scf.if %cond3A_125 {
        %add3A_156 = arith.constant 3 : i32
        %add3A_157 = arith.addi %add3A_99, %add3A_156 : i32
        %mul3A_158 = arith.constant 8192 : i32
        %mul3A_159 = arith.muli %add3A_157, %mul3A_158 : i32
        %add3A_160 = arith.addi %add3A_4, %mul3A_159 : i32
        %dma_start3A_161 = tpu.memref_slice %arg2[%add3A_160] : memref<33554432xf32, #tpu.memory_space<hbm>> -> memref<8192xf32, #tpu.memory_space<hbm>>
        %dma_start3A_162 = tpu.memref_slice %arg2[%add3A_160] : memref<33554432xf32, #tpu.memory_space<hbm>> -> memref<8192xf32, #tpu.memory_space<hbm>>
        tpu.enqueue_dma source(%dma_start3A_162 : memref<8192xf32, #tpu.memory_space<hbm>>) target(%arg5 : memref<8192xf32, #tpu.memory_space<vmem>>) target_semaphore(%arg13 : memref<!tpu.dma_semaphore, #tpu.memory_space<semaphore_mem>>)
      } else {
      }
      %mul3A_126 = arith.constant 4 : i32
      %mul3A_127 = arith.muli %scan3A_37, %mul3A_126 : i32
      %add3A_128 = arith.constant 3 : i32
      %add3A_129 = arith.addi %mul3A_127, %add3A_128 : i32
      %mul3A_130 = arith.constant 8192 : i32
      %mul3A_131 = arith.muli %add3A_129, %mul3A_130 : i32
      %add3A_132 = arith.addi %add3A_4, %mul3A_131 : i32
      %dma_wait3A_133 = tpu.memref_slice %arg2[%add3A_132] : memref<33554432xf32, #tpu.memory_space<hbm>> -> memref<8192xf32, #tpu.memory_space<hbm>>
      %dma_wait3A_134 = tpu.memref_slice %arg2[%add3A_132] : memref<33554432xf32, #tpu.memory_space<hbm>> -> memref<8192xf32, #tpu.memory_space<hbm>>
      tpu.wait_dma2 semaphore(%arg15 : memref<!tpu.dma_semaphore, #tpu.memory_space<semaphore_mem>>) src(%dma_wait3A_134 : memref<8192xf32, #tpu.memory_space<hbm>>) dst(%arg7 : memref<8192xf32, #tpu.memory_space<vmem>>)
      %gt3A_135 = arith.constant 0 : i32
      %gt3A_136 = arith.cmpi sgt, %scan3A_37, %gt3A_135 : i32
      %convert_element_type3A_137 = arith.extui %gt3A_136 : i1 to i32
      %cond3A_138 = arith.constant 0 : i32
      %cond3A_139 = arith.cmpi ne, %convert_element_type3A_137, %cond3A_138 : i32
      scf.if %cond3A_139 {
        %sub3A = arith.constant 4 : i32
        %sub3A_156 = arith.subi %add3A_129, %sub3A : i32
        %mul3A_157 = arith.constant 8192 : i32
        %mul3A_158 = arith.muli %sub3A_156, %mul3A_157 : i32
        %add3A_159 = arith.addi %mul3A_2, %mul3A_158 : i32
        %dma_wait3A_160 = tpu.memref_slice %arg3[%add3A_159] : memref<8388608xi32, #tpu.memory_space<hbm>> -> memref<8192xi32, #tpu.memory_space<hbm>>
        %dma_wait3A_161 = tpu.memref_slice %arg3[%add3A_159] : memref<8388608xi32, #tpu.memory_space<hbm>> -> memref<8192xi32, #tpu.memory_space<hbm>>
        tpu.wait_dma2 semaphore(%arg19 : memref<!tpu.dma_semaphore, #tpu.memory_space<semaphore_mem>>) src(%arg11 : memref<8192xi32, #tpu.memory_space<vmem>>) dst(%dma_wait3A_161 : memref<8192xi32, #tpu.memory_space<hbm>>)
      } else {
      }
      %scan3A_140 = arith.constant 0 : i32
      %scan3A_141 = arith.constant 0 : i32
      %scan3A_142 = arith.constant 64 : i32
      %scan3A_143 = arith.addi %scan3A_141, %scan3A_142 : i32
      %scan3A_144 = arith.constant 1 : i32
      scf.for %scan3A_156 = %scan3A_141 to %scan3A_143 step %scan3A_144  : i32 {
        %mul3A_157 = arith.constant 128 : i32
        %mul3A_158 = arith.muli %scan3A_156, %mul3A_157 : i32
        %add3A_159 = arith.constant 0 : i32
        %add3A_160 = arith.addi %mul3A_158, %add3A_159 : i32
        %get3A = arith.index_cast %add3A_160 : i32 to index
        %get3A_161 = tpu.vector_load %arg7[%get3A] {strides = array<i32>} : memref<8192xf32, #tpu.memory_space<vmem>>, vector<16xf32>,
        %get3A_162 = vector.shape_cast %get3A_161 : vector<16xf32> to vector<16xf32>
        %mul3A_163 = arith.mulf %get3A_162, %broadcast_in_dim3A_5 : vector<16xf32>
        %convert_element_type3A_164 = arith.fptosi %mul3A_163 : vector<16xf32> to vector<16xi32>
        %gt3A_165 = arith.constant 0.000000e+00 : f32
        %gt3A_166 = vector.broadcast %gt3A_165 : f32 to vector<16xf32>
        %gt3A_167 = arith.cmpf ogt, %mul3A_163, %gt3A_166 : vector<16xf32>
        %add3A_168 = arith.constant 1 : i32
        %add3A_169 = vector.broadcast %add3A_168 : i32 to vector<16xi32>
        %add3A_170 = arith.addi %convert_element_type3A_164, %add3A_169 : vector<16xi32>
        %select_n3A = arith.select %gt3A_167, %add3A_170, %convert_element_type3A_164 : vector<16xi1>, vector<16xi32>
        %max3A = arith.constant 0 : i32
        %max3A_171 = vector.broadcast %max3A : i32 to vector<16xi32>
        %max3A_172 = arith.maxsi %select_n3A, %max3A_171 : vector<16xi32>
        %min3A = arith.constant 256 : i32
        %min3A_173 = vector.broadcast %min3A : i32 to vector<16xi32>
        %min3A_174 = arith.minsi %max3A_172, %min3A_173 : vector<16xi32>
        %add3A_175 = arith.constant 0 : i32
        %add3A_176 = arith.addi %mul3A_158, %add3A_175 : i32
        %swap3A = arith.index_cast %add3A_176 : i32 to index
        %swap3A_177 = tpu.vector_load %arg11[%swap3A] {strides = array<i32>} : memref<8192xi32, #tpu.memory_space<vmem>>, vector<16xi32>,
        %swap3A_178 = vector.shape_cast %swap3A_177 : vector<16xi32> to vector<16xi32>
        %swap3A_179 = vector.shape_cast %min3A_174 : vector<16xi32> to vector<16xi32>
        tpu.vector_store %arg11[%swap3A], %swap3A_179 {strides = array<i32>} : memref<8192xi32, #tpu.memory_space<vmem>>, vector<16xi32>,
        %add3A_180 = arith.constant 16 : i32
        %add3A_181 = arith.addi %mul3A_158, %add3A_180 : i32
        %get3A_182 = arith.index_cast %add3A_181 : i32 to index
        %get3A_183 = tpu.vector_load %arg7[%get3A_182] {strides = array<i32>} : memref<8192xf32, #tpu.memory_space<vmem>>, vector<16xf32>,
        %get3A_184 = vector.shape_cast %get3A_183 : vector<16xf32> to vector<16xf32>
        %mul3A_185 = arith.mulf %get3A_184, %broadcast_in_dim3A_5 : vector<16xf32>
        %convert_element_type3A_186 = arith.fptosi %mul3A_185 : vector<16xf32> to vector<16xi32>
        %gt3A_187 = arith.constant 0.000000e+00 : f32
        %gt3A_188 = vector.broadcast %gt3A_187 : f32 to vector<16xf32>
        %gt3A_189 = arith.cmpf ogt, %mul3A_185, %gt3A_188 : vector<16xf32>
        %add3A_190 = arith.constant 1 : i32
        %add3A_191 = vector.broadcast %add3A_190 : i32 to vector<16xi32>
        %add3A_192 = arith.addi %convert_element_type3A_186, %add3A_191 : vector<16xi32>
        %select_n3A_193 = arith.select %gt3A_189, %add3A_192, %convert_element_type3A_186 : vector<16xi1>, vector<16xi32>
        %max3A_194 = arith.constant 0 : i32
        %max3A_195 = vector.broadcast %max3A_194 : i32 to vector<16xi32>
        %max3A_196 = arith.maxsi %select_n3A_193, %max3A_195 : vector<16xi32>
        %min3A_197 = arith.constant 256 : i32
        %min3A_198 = vector.broadcast %min3A_197 : i32 to vector<16xi32>
        %min3A_199 = arith.minsi %max3A_196, %min3A_198 : vector<16xi32>
        %add3A_200 = arith.constant 16 : i32
        %add3A_201 = arith.addi %mul3A_158, %add3A_200 : i32
        %swap3A_202 = arith.index_cast %add3A_201 : i32 to index
        %swap3A_203 = tpu.vector_load %arg11[%swap3A_202] {strides = array<i32>} : memref<8192xi32, #tpu.memory_space<vmem>>, vector<16xi32>,
        %swap3A_204 = vector.shape_cast %swap3A_203 : vector<16xi32> to vector<16xi32>
        %swap3A_205 = vector.shape_cast %min3A_199 : vector<16xi32> to vector<16xi32>
        tpu.vector_store %arg11[%swap3A_202], %swap3A_205 {strides = array<i32>} : memref<8192xi32, #tpu.memory_space<vmem>>, vector<16xi32>,
        %add3A_206 = arith.constant 32 : i32
        %add3A_207 = arith.addi %mul3A_158, %add3A_206 : i32
        %get3A_208 = arith.index_cast %add3A_207 : i32 to index
        %get3A_209 = tpu.vector_load %arg7[%get3A_208] {strides = array<i32>} : memref<8192xf32, #tpu.memory_space<vmem>>, vector<16xf32>,
        %get3A_210 = vector.shape_cast %get3A_209 : vector<16xf32> to vector<16xf32>
        %mul3A_211 = arith.mulf %get3A_210, %broadcast_in_dim3A_5 : vector<16xf32>
        %convert_element_type3A_212 = arith.fptosi %mul3A_211 : vector<16xf32> to vector<16xi32>
        %gt3A_213 = arith.constant 0.000000e+00 : f32
        %gt3A_214 = vector.broadcast %gt3A_213 : f32 to vector<16xf32>
        %gt3A_215 = arith.cmpf ogt, %mul3A_211, %gt3A_214 : vector<16xf32>
        %add3A_216 = arith.constant 1 : i32
        %add3A_217 = vector.broadcast %add3A_216 : i32 to vector<16xi32>
        %add3A_218 = arith.addi %convert_element_type3A_212, %add3A_217 : vector<16xi32>
        %select_n3A_219 = arith.select %gt3A_215, %add3A_218, %convert_element_type3A_212 : vector<16xi1>, vector<16xi32>
        %max3A_220 = arith.constant 0 : i32
        %max3A_221 = vector.broadcast %max3A_220 : i32 to vector<16xi32>
        %max3A_222 = arith.maxsi %select_n3A_219, %max3A_221 : vector<16xi32>
        %min3A_223 = arith.constant 256 : i32
        %min3A_224 = vector.broadcast %min3A_223 : i32 to vector<16xi32>
        %min3A_225 = arith.minsi %max3A_222, %min3A_224 : vector<16xi32>
        %add3A_226 = arith.constant 32 : i32
        %add3A_227 = arith.addi %mul3A_158, %add3A_226 : i32
        %swap3A_228 = arith.index_cast %add3A_227 : i32 to index
        %swap3A_229 = tpu.vector_load %arg11[%swap3A_228] {strides = array<i32>} : memref<8192xi32, #tpu.memory_space<vmem>>, vector<16xi32>,
        %swap3A_230 = vector.shape_cast %swap3A_229 : vector<16xi32> to vector<16xi32>
        %swap3A_231 = vector.shape_cast %min3A_225 : vector<16xi32> to vector<16xi32>
        tpu.vector_store %arg11[%swap3A_228], %swap3A_231 {strides = array<i32>} : memref<8192xi32, #tpu.memory_space<vmem>>, vector<16xi32>,
        %add3A_232 = arith.constant 48 : i32
        %add3A_233 = arith.addi %mul3A_158, %add3A_232 : i32
        %get3A_234 = arith.index_cast %add3A_233 : i32 to index
        %get3A_235 = tpu.vector_load %arg7[%get3A_234] {strides = array<i32>} : memref<8192xf32, #tpu.memory_space<vmem>>, vector<16xf32>,
        %get3A_236 = vector.shape_cast %get3A_235 : vector<16xf32> to vector<16xf32>
        %mul3A_237 = arith.mulf %get3A_236, %broadcast_in_dim3A_5 : vector<16xf32>
        %convert_element_type3A_238 = arith.fptosi %mul3A_237 : vector<16xf32> to vector<16xi32>
        %gt3A_239 = arith.constant 0.000000e+00 : f32
        %gt3A_240 = vector.broadcast %gt3A_239 : f32 to vector<16xf32>
        %gt3A_241 = arith.cmpf ogt, %mul3A_237, %gt3A_240 : vector<16xf32>
        %add3A_242 = arith.constant 1 : i32
        %add3A_243 = vector.broadcast %add3A_242 : i32 to vector<16xi32>
        %add3A_244 = arith.addi %convert_element_type3A_238, %add3A_243 : vector<16xi32>
        %select_n3A_245 = arith.select %gt3A_241, %add3A_244, %convert_element_type3A_238 : vector<16xi1>, vector<16xi32>
        %max3A_246 = arith.constant 0 : i32
        %max3A_247 = vector.broadcast %max3A_246 : i32 to vector<16xi32>
        %max3A_248 = arith.maxsi %select_n3A_245, %max3A_247 : vector<16xi32>
        %min3A_249 = arith.constant 256 : i32
        %min3A_250 = vector.broadcast %min3A_249 : i32 to vector<16xi32>
        %min3A_251 = arith.minsi %max3A_248, %min3A_250 : vector<16xi32>
        %add3A_252 = arith.constant 48 : i32
        %add3A_253 = arith.addi %mul3A_158, %add3A_252 : i32
        %swap3A_254 = arith.index_cast %add3A_253 : i32 to index
        %swap3A_255 = tpu.vector_load %arg11[%swap3A_254] {strides = array<i32>} : memref<8192xi32, #tpu.memory_space<vmem>>, vector<16xi32>,
        %swap3A_256 = vector.shape_cast %swap3A_255 : vector<16xi32> to vector<16xi32>
        %swap3A_257 = vector.shape_cast %min3A_251 : vector<16xi32> to vector<16xi32>
        tpu.vector_store %arg11[%swap3A_254], %swap3A_257 {strides = array<i32>} : memref<8192xi32, #tpu.memory_space<vmem>>, vector<16xi32>,
        %add3A_258 = arith.constant 64 : i32
        %add3A_259 = arith.addi %mul3A_158, %add3A_258 : i32
        %get3A_260 = arith.index_cast %add3A_259 : i32 to index
        %get3A_261 = tpu.vector_load %arg7[%get3A_260] {strides = array<i32>} : memref<8192xf32, #tpu.memory_space<vmem>>, vector<16xf32>,
        %get3A_262 = vector.shape_cast %get3A_261 : vector<16xf32> to vector<16xf32>
        %mul3A_263 = arith.mulf %get3A_262, %broadcast_in_dim3A_5 : vector<16xf32>
        %convert_element_type3A_264 = arith.fptosi %mul3A_263 : vector<16xf32> to vector<16xi32>
        %gt3A_265 = arith.constant 0.000000e+00 : f32
        %gt3A_266 = vector.broadcast %gt3A_265 : f32 to vector<16xf32>
        %gt3A_267 = arith.cmpf ogt, %mul3A_263, %gt3A_266 : vector<16xf32>
        %add3A_268 = arith.constant 1 : i32
        %add3A_269 = vector.broadcast %add3A_268 : i32 to vector<16xi32>
        %add3A_270 = arith.addi %convert_element_type3A_264, %add3A_269 : vector<16xi32>
        %select_n3A_271 = arith.select %gt3A_267, %add3A_270, %convert_element_type3A_264 : vector<16xi1>, vector<16xi32>
        %max3A_272 = arith.constant 0 : i32
        %max3A_273 = vector.broadcast %max3A_272 : i32 to vector<16xi32>
        %max3A_274 = arith.maxsi %select_n3A_271, %max3A_273 : vector<16xi32>
        %min3A_275 = arith.constant 256 : i32
        %min3A_276 = vector.broadcast %min3A_275 : i32 to vector<16xi32>
        %min3A_277 = arith.minsi %max3A_274, %min3A_276 : vector<16xi32>
        %add3A_278 = arith.constant 64 : i32
        %add3A_279 = arith.addi %mul3A_158, %add3A_278 : i32
        %swap3A_280 = arith.index_cast %add3A_279 : i32 to index
        %swap3A_281 = tpu.vector_load %arg11[%swap3A_280] {strides = array<i32>} : memref<8192xi32, #tpu.memory_space<vmem>>, vector<16xi32>,
        %swap3A_282 = vector.shape_cast %swap3A_281 : vector<16xi32> to vector<16xi32>
        %swap3A_283 = vector.shape_cast %min3A_277 : vector<16xi32> to vector<16xi32>
        tpu.vector_store %arg11[%swap3A_280], %swap3A_283 {strides = array<i32>} : memref<8192xi32, #tpu.memory_space<vmem>>, vector<16xi32>,
        %add3A_284 = arith.constant 80 : i32
        %add3A_285 = arith.addi %mul3A_158, %add3A_284 : i32
        %get3A_286 = arith.index_cast %add3A_285 : i32 to index
        %get3A_287 = tpu.vector_load %arg7[%get3A_286] {strides = array<i32>} : memref<8192xf32, #tpu.memory_space<vmem>>, vector<16xf32>,
        %get3A_288 = vector.shape_cast %get3A_287 : vector<16xf32> to vector<16xf32>
        %mul3A_289 = arith.mulf %get3A_288, %broadcast_in_dim3A_5 : vector<16xf32>
        %convert_element_type3A_290 = arith.fptosi %mul3A_289 : vector<16xf32> to vector<16xi32>
        %gt3A_291 = arith.constant 0.000000e+00 : f32
        %gt3A_292 = vector.broadcast %gt3A_291 : f32 to vector<16xf32>
        %gt3A_293 = arith.cmpf ogt, %mul3A_289, %gt3A_292 : vector<16xf32>
        %add3A_294 = arith.constant 1 : i32
        %add3A_295 = vector.broadcast %add3A_294 : i32 to vector<16xi32>
        %add3A_296 = arith.addi %convert_element_type3A_290, %add3A_295 : vector<16xi32>
        %select_n3A_297 = arith.select %gt3A_293, %add3A_296, %convert_element_type3A_290 : vector<16xi1>, vector<16xi32>
        %max3A_298 = arith.constant 0 : i32
        %max3A_299 = vector.broadcast %max3A_298 : i32 to vector<16xi32>
        %max3A_300 = arith.maxsi %select_n3A_297, %max3A_299 : vector<16xi32>
        %min3A_301 = arith.constant 256 : i32
        %min3A_302 = vector.broadcast %min3A_301 : i32 to vector<16xi32>
        %min3A_303 = arith.minsi %max3A_300, %min3A_302 : vector<16xi32>
        %add3A_304 = arith.constant 80 : i32
        %add3A_305 = arith.addi %mul3A_158, %add3A_304 : i32
        %swap3A_306 = arith.index_cast %add3A_305 : i32 to index
        %swap3A_307 = tpu.vector_load %arg11[%swap3A_306] {strides = array<i32>} : memref<8192xi32, #tpu.memory_space<vmem>>, vector<16xi32>,
        %swap3A_308 = vector.shape_cast %swap3A_307 : vector<16xi32> to vector<16xi32>
        %swap3A_309 = vector.shape_cast %min3A_303 : vector<16xi32> to vector<16xi32>
        tpu.vector_store %arg11[%swap3A_306], %swap3A_309 {strides = array<i32>} : memref<8192xi32, #tpu.memory_space<vmem>>, vector<16xi32>,
        %add3A_310 = arith.constant 96 : i32
        %add3A_311 = arith.addi %mul3A_158, %add3A_310 : i32
        %get3A_312 = arith.index_cast %add3A_311 : i32 to index
        %get3A_313 = tpu.vector_load %arg7[%get3A_312] {strides = array<i32>} : memref<8192xf32, #tpu.memory_space<vmem>>, vector<16xf32>,
        %get3A_314 = vector.shape_cast %get3A_313 : vector<16xf32> to vector<16xf32>
        %mul3A_315 = arith.mulf %get3A_314, %broadcast_in_dim3A_5 : vector<16xf32>
        %convert_element_type3A_316 = arith.fptosi %mul3A_315 : vector<16xf32> to vector<16xi32>
        %gt3A_317 = arith.constant 0.000000e+00 : f32
        %gt3A_318 = vector.broadcast %gt3A_317 : f32 to vector<16xf32>
        %gt3A_319 = arith.cmpf ogt, %mul3A_315, %gt3A_318 : vector<16xf32>
        %add3A_320 = arith.constant 1 : i32
        %add3A_321 = vector.broadcast %add3A_320 : i32 to vector<16xi32>
        %add3A_322 = arith.addi %convert_element_type3A_316, %add3A_321 : vector<16xi32>
        %select_n3A_323 = arith.select %gt3A_319, %add3A_322, %convert_element_type3A_316 : vector<16xi1>, vector<16xi32>
        %max3A_324 = arith.constant 0 : i32
        %max3A_325 = vector.broadcast %max3A_324 : i32 to vector<16xi32>
        %max3A_326 = arith.maxsi %select_n3A_323, %max3A_325 : vector<16xi32>
        %min3A_327 = arith.constant 256 : i32
        %min3A_328 = vector.broadcast %min3A_327 : i32 to vector<16xi32>
        %min3A_329 = arith.minsi %max3A_326, %min3A_328 : vector<16xi32>
        %add3A_330 = arith.constant 96 : i32
        %add3A_331 = arith.addi %mul3A_158, %add3A_330 : i32
        %swap3A_332 = arith.index_cast %add3A_331 : i32 to index
        %swap3A_333 = tpu.vector_load %arg11[%swap3A_332] {strides = array<i32>} : memref<8192xi32, #tpu.memory_space<vmem>>, vector<16xi32>,
        %swap3A_334 = vector.shape_cast %swap3A_333 : vector<16xi32> to vector<16xi32>
        %swap3A_335 = vector.shape_cast %min3A_329 : vector<16xi32> to vector<16xi32>
        tpu.vector_store %arg11[%swap3A_332], %swap3A_335 {strides = array<i32>} : memref<8192xi32, #tpu.memory_space<vmem>>, vector<16xi32>,
        %add3A_336 = arith.constant 112 : i32
        %add3A_337 = arith.addi %mul3A_158, %add3A_336 : i32
        %get3A_338 = arith.index_cast %add3A_337 : i32 to index
        %get3A_339 = tpu.vector_load %arg7[%get3A_338] {strides = array<i32>} : memref<8192xf32, #tpu.memory_space<vmem>>, vector<16xf32>,
        %get3A_340 = vector.shape_cast %get3A_339 : vector<16xf32> to vector<16xf32>
        %mul3A_341 = arith.mulf %get3A_340, %broadcast_in_dim3A_5 : vector<16xf32>
        %convert_element_type3A_342 = arith.fptosi %mul3A_341 : vector<16xf32> to vector<16xi32>
        %gt3A_343 = arith.constant 0.000000e+00 : f32
        %gt3A_344 = vector.broadcast %gt3A_343 : f32 to vector<16xf32>
        %gt3A_345 = arith.cmpf ogt, %mul3A_341, %gt3A_344 : vector<16xf32>
        %add3A_346 = arith.constant 1 : i32
        %add3A_347 = vector.broadcast %add3A_346 : i32 to vector<16xi32>
        %add3A_348 = arith.addi %convert_element_type3A_342, %add3A_347 : vector<16xi32>
        %select_n3A_349 = arith.select %gt3A_345, %add3A_348, %convert_element_type3A_342 : vector<16xi1>, vector<16xi32>
        %max3A_350 = arith.constant 0 : i32
        %max3A_351 = vector.broadcast %max3A_350 : i32 to vector<16xi32>
        %max3A_352 = arith.maxsi %select_n3A_349, %max3A_351 : vector<16xi32>
        %min3A_353 = arith.constant 256 : i32
        %min3A_354 = vector.broadcast %min3A_353 : i32 to vector<16xi32>
        %min3A_355 = arith.minsi %max3A_352, %min3A_354 : vector<16xi32>
        %add3A_356 = arith.constant 112 : i32
        %add3A_357 = arith.addi %mul3A_158, %add3A_356 : i32
        %swap3A_358 = arith.index_cast %add3A_357 : i32 to index
        %swap3A_359 = tpu.vector_load %arg11[%swap3A_358] {strides = array<i32>} : memref<8192xi32, #tpu.memory_space<vmem>>, vector<16xi32>,
        %swap3A_360 = vector.shape_cast %swap3A_359 : vector<16xi32> to vector<16xi32>
        %swap3A_361 = vector.shape_cast %min3A_355 : vector<16xi32> to vector<16xi32>
        tpu.vector_store %arg11[%swap3A_358], %swap3A_361 {strides = array<i32>} : memref<8192xi32, #tpu.memory_space<vmem>>, vector<16xi32>,
      }
      %scan3A_145 = arith.constant 64 : i32
      %mul3A_146 = arith.constant 8192 : i32
      %mul3A_147 = arith.muli %add3A_129, %mul3A_146 : i32
      %add3A_148 = arith.addi %mul3A_2, %mul3A_147 : i32
      %dma_start3A_149 = tpu.memref_slice %arg3[%add3A_148] : memref<8388608xi32, #tpu.memory_space<hbm>> -> memref<8192xi32, #tpu.memory_space<hbm>>
      %dma_start3A_150 = tpu.memref_slice %arg3[%add3A_148] : memref<8388608xi32, #tpu.memory_space<hbm>> -> memref<8192xi32, #tpu.memory_space<hbm>>
      tpu.enqueue_dma source(%arg11 : memref<8192xi32, #tpu.memory_space<vmem>>) target(%dma_start3A_150 : memref<8192xi32, #tpu.memory_space<hbm>>) target_semaphore(%arg19 : memref<!tpu.dma_semaphore, #tpu.memory_space<semaphore_mem>>)
      %lt3A_151 = arith.constant 7 : i32
      %lt3A_152 = arith.cmpi slt, %scan3A_37, %lt3A_151 : i32
      %convert_element_type3A_153 = arith.extui %lt3A_152 : i1 to i32
      %cond3A_154 = arith.constant 0 : i32
      %cond3A_155 = arith.cmpi ne, %convert_element_type3A_153, %cond3A_154 : i32
      scf.if %cond3A_155 {
        %add3A_156 = arith.constant 3 : i32
        %add3A_157 = arith.addi %add3A_129, %add3A_156 : i32
        %mul3A_158 = arith.constant 8192 : i32
        %mul3A_159 = arith.muli %add3A_157, %mul3A_158 : i32
        %add3A_160 = arith.addi %add3A_4, %mul3A_159 : i32
        %dma_start3A_161 = tpu.memref_slice %arg2[%add3A_160] : memref<33554432xf32, #tpu.memory_space<hbm>> -> memref<8192xf32, #tpu.memory_space<hbm>>
        %dma_start3A_162 = tpu.memref_slice %arg2[%add3A_160] : memref<33554432xf32, #tpu.memory_space<hbm>> -> memref<8192xf32, #tpu.memory_space<hbm>>
        tpu.enqueue_dma source(%dma_start3A_162 : memref<8192xf32, #tpu.memory_space<hbm>>) target(%arg6 : memref<8192xf32, #tpu.memory_space<vmem>>) target_semaphore(%arg14 : memref<!tpu.dma_semaphore, #tpu.memory_space<semaphore_mem>>)
      } else {
      }
    }
    %scan3A_21 = arith.constant 8 : i32
    %add3A_22 = arith.constant 229376 : i32
    %add3A_23 = arith.addi %mul3A_2, %add3A_22 : i32
    %dma_wait3A = tpu.memref_slice %arg3[%add3A_23] : memref<8388608xi32, #tpu.memory_space<hbm>> -> memref<8192xi32, #tpu.memory_space<hbm>>
    %dma_wait3A_24 = tpu.memref_slice %arg3[%add3A_23] : memref<8388608xi32, #tpu.memory_space<hbm>> -> memref<8192xi32, #tpu.memory_space<hbm>>
    tpu.wait_dma2 semaphore(%arg16 : memref<!tpu.dma_semaphore, #tpu.memory_space<semaphore_mem>>) src(%arg8 : memref<8192xi32, #tpu.memory_space<vmem>>) dst(%dma_wait3A_24 : memref<8192xi32, #tpu.memory_space<hbm>>)
    %add3A_25 = arith.constant 237568 : i32
    %add3A_26 = arith.addi %mul3A_2, %add3A_25 : i32
    %dma_wait3A_27 = tpu.memref_slice %arg3[%add3A_26] : memref<8388608xi32, #tpu.memory_space<hbm>> -> memref<8192xi32, #tpu.memory_space<hbm>>
    %dma_wait3A_28 = tpu.memref_slice %arg3[%add3A_26] : memref<8388608xi32, #tpu.memory_space<hbm>> -> memref<8192xi32, #tpu.memory_space<hbm>>
    tpu.wait_dma2 semaphore(%arg17 : memref<!tpu.dma_semaphore, #tpu.memory_space<semaphore_mem>>) src(%arg9 : memref<8192xi32, #tpu.memory_space<vmem>>) dst(%dma_wait3A_28 : memref<8192xi32, #tpu.memory_space<hbm>>)
    %add3A_29 = arith.constant 245760 : i32
    %add3A_30 = arith.addi %mul3A_2, %add3A_29 : i32
    %dma_wait3A_31 = tpu.memref_slice %arg3[%add3A_30] : memref<8388608xi32, #tpu.memory_space<hbm>> -> memref<8192xi32, #tpu.memory_space<hbm>>
    %dma_wait3A_32 = tpu.memref_slice %arg3[%add3A_30] : memref<8388608xi32, #tpu.memory_space<hbm>> -> memref<8192xi32, #tpu.memory_space<hbm>>
    tpu.wait_dma2 semaphore(%arg18 : memref<!tpu.dma_semaphore, #tpu.memory_space<semaphore_mem>>) src(%arg10 : memref<8192xi32, #tpu.memory_space<vmem>>) dst(%dma_wait3A_32 : memref<8192xi32, #tpu.memory_space<hbm>>)
    %add3A_33 = arith.constant 253952 : i32
    %add3A_34 = arith.addi %mul3A_2, %add3A_33 : i32
    %dma_wait3A_35 = tpu.memref_slice %arg3[%add3A_34] : memref<8388608xi32, #tpu.memory_space<hbm>> -> memref<8192xi32, #tpu.memory_space<hbm>>
    %dma_wait3A_36 = tpu.memref_slice %arg3[%add3A_34] : memref<8388608xi32, #tpu.memory_space<hbm>> -> memref<8192xi32, #tpu.memory_space<hbm>>
    tpu.wait_dma2 semaphore(%arg19 : memref<!tpu.dma_semaphore, #tpu.memory_space<semaphore_mem>>) src(%arg11 : memref<8192xi32, #tpu.memory_space<vmem>>) dst(%dma_wait3A_36 : memref<8192xi32, #tpu.memory_space<hbm>>)
    return
  }
}

module attributes {stable_mosaic.version = 14 : i64} {
  func.func @_tc_body(%arg0: i32, %arg1: memref<512x4096xf32, #tpu.memory_space<vmem>>, %arg2: memref<512x4096xi32, #tpu.memory_space<vmem>>) attributes {dimension_semantics = [#tpu.dimension_semantics<arbitrary>], iteration_bounds = array<i64: 12>, scalar_prefetch = 0 : i64, scratch_operands = 0 : i64, tpu.core_type = #tpu.core_type<tc>, window_params = [{transform_indices = @transform_0, window_bounds = array<i64: 512, 4096>}, {transform_indices = @transform_1, window_bounds = array<i64: 512, 4096>}]} {
    %get3A = arith.constant 0 : index
    %get3A_0 = arith.constant 0 : index
    %get3A_1 = vector.load %arg1[%get3A, %get3A_0] : memref<512x4096xf32, #tpu.memory_space<vmem>>, vector<512x4096xf32>
    %mul3A = arith.constant 40.5845108 : f32
    %mul3A_2 = vector.broadcast %mul3A : f32 to vector<512x4096xf32>
    %mul3A_3 = arith.mulf %get3A_1, %mul3A_2 : vector<512x4096xf32>
    %convert_element_type3A = arith.fptosi %mul3A_3 : vector<512x4096xf32> to vector<512x4096xi32>
    %gt3A = arith.constant 0.000000e+00 : f32
    %gt3A_4 = vector.broadcast %gt3A : f32 to vector<512x4096xf32>
    %gt3A_5 = arith.cmpf ogt, %mul3A_3, %gt3A_4 : vector<512x4096xf32>
    %add3A = arith.constant 1 : i32
    %add3A_6 = vector.broadcast %add3A : i32 to vector<512x4096xi32>
    %add3A_7 = arith.addi %convert_element_type3A, %add3A_6 : vector<512x4096xi32>
    %select_n3A = arith.select %gt3A_5, %add3A_7, %convert_element_type3A : vector<512x4096xi1>, vector<512x4096xi32>
    %max3A = arith.constant 0 : i32
    %max3A_8 = vector.broadcast %max3A : i32 to vector<512x4096xi32>
    %max3A_9 = arith.maxsi %select_n3A, %max3A_8 : vector<512x4096xi32>
    %min3A = arith.constant 256 : i32
    %min3A_10 = vector.broadcast %min3A : i32 to vector<512x4096xi32>
    %min3A_11 = arith.minsi %max3A_9, %min3A_10 : vector<512x4096xi32>
    %swap3A = arith.constant 0 : index
    %swap3A_12 = arith.constant 0 : index
    %swap3A_13 = vector.load %arg2[%swap3A, %swap3A_12] : memref<512x4096xi32, #tpu.memory_space<vmem>>, vector<512x4096xi32>
    tpu.vector_store %arg2[%swap3A, %swap3A_12], %min3A_11 {strides = array<i32>} : memref<512x4096xi32, #tpu.memory_space<vmem>>, vector<512x4096xi32>,
    return
  }
  func.func @transform_0(%arg0: i32) -> (i32, i32) {
    %c0_i32 = arith.constant 0 : i32
    %c0_i32_0 = arith.constant 0 : i32
    return %arg0, %c0_i32 : i32, i32
  }
  func.func @transform_1(%arg0: i32) -> (i32, i32) {
    %c0_i32 = arith.constant 0 : i32
    %c0_i32_0 = arith.constant 0 : i32
    return %arg0, %c0_i32 : i32, i32
  }
}

</mosaic_0001>

<sc_bundles>
// kernel: kernel.4.cloned.1.call-start
scs
__scs_entry_jumppad:
0x0: {  	(pc) =	sbr.rel $0x88, $3  }
0x1: {  	(tag) =	ssettag $0x0;
	lr =	simm.s32 $0x1  }
0x2: {  	[smem:$0x3FA0] =	sst lr;
	_ =	strace $0xD0000000  }
0x3: {  	_ = 	snop  }
0x4: {  	_ = 	snop  }
0x5: {  	_ = 	snop  }
0x6: {  	_ = 	snop  }
0x7: {  	_ = 	snop  }
__scs_overlays_trampoline_lowered:
0x8: {  	[smem:$0x3FAF] =	sst s0  }
0x9: {  	[smem:$0x3FB0] =	sst s1  }
0xa: {  	[smem:$0x3FB1] =	sst s2  }
0xb: {  	[smem:$0x3FB2] =	sst s3  }
0xc: {  	[smem:$0x3FB3] =	sst s4  }
0xd: {  	[smem:$0x3FB4] =	sst s5  }
0xe: {  	[smem:$0x3FB5] =	sst s6  }
0xf: {  	[smem:$0x3FB6] =	sst s7  }
0x10: {  	[smem:$0x3FB7] =	sst s8  }
0x11: {  	[smem:$0x3FB8] =	sst s9;
	s0 =	simm.s32 @!p0 $0x0  }
0x12: {  	s1 =	sld [smem:$0x3F9E];
	s0 =	simm.s32 @p0 $0x1  }
0x13: {  	[smem:$0x3FB9] =	sst s0;
	s0 =	simm.s32 @!p1 $0x0  }
0x14: {  	s2 =	sld [smem:$0x3F9D];
	s0 =	simm.s32 @p1 $0x1  }
0x15: {  	[smem:$0x3FBA] =	sst s0;
	s0 =	simm.s32 @!p2 $0x0  }
0x16: {  	s3 =	sld [smem:$0x3FDB];
	s0 =	simm.s32 @p2 $0x1  }
0x17: {  	s4 =	simm.s32 $0x1BF5;
	[smem:$0x3FBC] =	sst s0  }
0x18: {  	s0 =	sld [smem:$0x3F9F];
	_ =	swait.ge [sflag:s4], $0x0  }
0x19: {  	s7 =	sld [smem:$0x3FA0]  }
0x1a: {  	s8 =	sadd.s32 $0xFFFFE003, lr  }
0x1b: {  	s9 =	sadd.s32 $0xFFFFFEF7, lr;
	s5 =	simm.s32 $0xFFFFFFFF;
	p2 =	slt.u32 s8, $0xFFFFF086  }
0x1c: {  	p1 =	slt.u32 s9, $0xF7A;
	s5 =	simm.s32 @!p2 $0x0  }
0x1d: {  	s5 =	simm.s32 @p1 $0x1;
	p0 =	seq.s32 s7, s2  }
0x1e: {  	s7 =	smul.u32 @!p0 $0xF7A, s2;
	p2 =	seq.s32 @!p0 s5, $0x0  }
0x1f: {  	s9 =	smul.u32 $0xF7A, s1;
	s8 =	simm.s32 @!p0 $0x1BF5;
	p2 =	por !p2, p0  }
0x20: {  	[sflag:s8] =	ssyncset.s32 @!p0 $0xFFFFF086;
	s6 =	sadd.s32 @!p0 s3, s7;
	s7 =	simm.s32 @!p0 $0x108  }
0x21: {  	s3 =	sadd.s32 s3, s9;
	s6 =	sadd.s32 @!p0 $0x88, s6;
	s7 =	simm.s32 @p2 $0x1082  }
0x22: {  	[simem:s7], [sflag:s8] =	dma.local @!p0 [hbm:s6], $0xF7A  }
0x23: {  	s9 =	sor.u32 $0xD0000000, s2;
	s6 =	simm.s32 $0x108;
	_ =	swait.ge @!p0 [sflag:s8], $0x0  }
0x24: {  	s3 =	sadd.s32 $0x88, s3;
	s6 =	simm.s32 @!p1 $0x1082;
	[sflag:s4] =	ssyncset.s32 $0xFFFFF086  }
0x25: {  	[simem:s6], [sflag:s4] =	dma.local [hbm:s3], $0xF7A  }
0x26: {  	[smem:$0x3FA0] =	sst s1;
	(tag) =	ssettag s2;
	_ =	strace s9  }
0x27: {  	s1 =	sld [smem:$0x3FB0]  }
0x28: {  	s2 =	sld [smem:$0x3FB1]  }
0x29: {  	s4 =	sld [smem:$0x3FB3]  }
0x2a: {  	p0 =	seq.s32 s5, $0x0;
	s5 =	sld [smem:$0x3FB4]  }
0x2b: {  	s6 =	sld [smem:$0x3FB5]  }
0x2c: {  	s7 =	sld [smem:$0x3FB6]  }
0x2d: {  	s3 =	simm.s32 $0x108;
	s8 =	sld [smem:$0x3FB7]  }
0x2e: {  	s3 =	simm.s32 @!p0 $0x1082;
	s9 =	sld [smem:$0x3FB8]  }
0x2f: {  	lr =	sadd.s32 s0, s3;
	s0 =	sld [smem:$0x3FAF]  }
0x30: {  	s3 =	sld [smem:$0x3FB2]  }
0x31: {  	[smem:$0x3FBB] =	sst s10  }
0x32: {  	s10 =	sld [smem:$0x3FB9];
	_ =	sdelay $0x3  }
0x33: {  	p0 =	seq.s32 s10, $0x1;
	s10 =	sld [smem:$0x3FBB];
	_ =	sdelay $0x3  }
0x34: {  	[smem:$0x3FBB] =	sst s10  }
0x35: {  	s10 =	sld [smem:$0x3FBA];
	_ =	sdelay $0x3  }
0x36: {  	p1 =	seq.s32 s10, $0x1;
	s10 =	sld [smem:$0x3FBB];
	_ =	sdelay $0x3  }
0x37: {  	[smem:$0x3FBB] =	sst s10  }
0x38: {  	s10 =	sld [smem:$0x3FBC]  }
0x39: {  	_ = 	snop;
	(pc) =	sbr.ind lr, $3  }
0x3a: {  	_ = 	snop  }
0x3b: {  	_ = 	snop  }
0x3c: {  	p2 =	seq.s32 s10, $0x1;
	s10 =	sld [smem:$0x3FBB]  }
0x3d: {  	_ =	shalt  }
0x3e: {  	_ =	shalt  }
0x3f: {  	_ =	shalt  }
0x40: {  	_ =	shalt  }
0x41: {  	_ =	shalt  }
0x42: {  	_ =	shalt  }
0x43: {  	_ =	shalt  }
0x44: {  	_ =	shalt  }
0x45: {  	_ =	shalt  }
0x46: {  	_ =	shalt  }
0x47: {  	_ =	shalt  }
0x48: {  	_ =	shalt  }
0x49: {  	_ =	shalt  }
0x4a: {  	_ =	shalt  }
0x4b: {  	_ =	shalt  }
0x4c: {  	_ =	shalt  }
0x4d: {  	_ =	shalt  }
0x4e: {  	_ =	shalt  }
0x4f: {  	_ =	shalt  }
0x50: {  	_ =	shalt  }
0x51: {  	_ =	shalt  }
0x52: {  	_ =	shalt  }
0x53: {  	_ =	shalt  }
0x54: {  	_ =	shalt  }
0x55: {  	_ =	shalt  }
0x56: {  	_ =	shalt  }
0x57: {  	_ =	shalt  }
0x58: {  	_ =	shalt  }
0x59: {  	_ =	shalt  }
0x5a: {  	_ =	shalt  }
0x5b: {  	_ =	shalt  }
0x5c: {  	_ =	shalt  }
0x5d: {  	_ =	shalt  }
0x5e: {  	_ =	shalt  }
0x5f: {  	_ =	shalt  }
0x60: {  	_ =	shalt  }
0x61: {  	_ =	shalt  }
0x62: {  	_ =	shalt  }
0x63: {  	_ =	shalt  }
0x64: {  	_ =	shalt  }
0x65: {  	_ =	shalt  }
0x66: {  	_ =	shalt  }
0x67: {  	_ =	shalt  }
0x68: {  	_ =	shalt  }
0x69: {  	_ =	shalt  }
0x6a: {  	_ =	shalt  }
0x6b: {  	_ =	shalt  }
0x6c: {  	_ =	shalt  }
0x6d: {  	_ =	shalt  }
0x6e: {  	_ =	shalt  }
0x6f: {  	_ =	shalt  }
0x70: {  	_ =	shalt  }
0x71: {  	_ =	shalt  }
0x72: {  	_ =	shalt  }
0x73: {  	_ =	shalt  }
0x74: {  	_ =	shalt  }
0x75: {  	_ =	shalt  }
0x76: {  	_ =	shalt  }
0x77: {  	_ =	shalt  }
0x78: {  	_ =	shalt  }
0x79: {  	_ =	shalt  }
0x7a: {  	_ =	shalt  }
0x7b: {  	_ =	shalt  }
0x7c: {  	_ =	shalt  }
0x7d: {  	_ =	shalt  }
0x7e: {  	_ =	shalt  }
0x7f: {  	_ =	shalt  }
0x80: {  	_ =	shalt  }
0x81: {  	_ =	shalt  }
0x82: {  	_ =	shalt  }
0x83: {  	_ =	shalt  }
0x84: {  	_ =	shalt  }
0x85: {  	_ =	shalt  }
0x86: {  	_ =	shalt  }
0x87: {  	_ =	shalt  }
.Lfunc_end0:
.L_simem_size_0:
called_computation.1_lowered:
.L_overlay_start_0:
0x88: {  	s2 =	sld [smem:$0x3FD9]  }
0x89: {  	s3 =	sld [smem:$0x3FFE];
	_ =	sdelay $0x1  }
0x8a: {  	s1 =	srdreg.scid  }
0x8b: {  	s0 =	sand.u32 $0x1, s1  }
0x8c: {  	s16 =	sshll.u32 s0, $0xA;
	s2 =	sadd.s32 s3, s2  }
0x8d: {  	s2 =	sadd.s32 s2, s16  }
0x8e: {  	[smem:$0x3FC7] =	sst s2  }
0x8f: {  	_ = 	snop  }
0x90: {  	(tm) =	ssettm $0x1  }
0x91: {  	s17 =	sld [smem:$0x3FFB];
	_ =	sdelay $0x3  }
0x92: {  	_ =	strace s17  }
0x93: {  	s2 =	sld [smem:$0x3FFC];
	_ =	sdelay $0x3  }
0x94: {  	_ =	strace s2  }
0x95: {  	s2 =	sld [smem:$0x3FFD];
	_ =	sdelay $0x3  }
0x96: {  	_ =	strace s2  }
0x97: {  	_ =	strace $0x8FFFFFFF  }
0x98: {  	s18 =	sld [smem:$0x3FDB];
	_ =	sdelay $0x1  }
0x99: {  	s19 =	simm.s32 $_scs_section_size  }
0x9a: {  	s4 =	simm.s32 $_size__tile_overlayer_lowered;
	s5 =	simm.s32 $_tile_overlayer_lowered  }
0x9b: {  	s22 =	simm.s32 $0x1BFF;
	s21 =	sshll.u32 s5, $0x1;
	s2 =	sadd.s32 s19, s18  }
0x9c: {  	s6 =	simm.s32 $0x0;
	s20 =	sshll.u32 s4, $0x1;
	s4 =	sadd.s32 s21, s2  }
0x9d: {  	[timem:s6], [sflag:s22] =	dma.local [hbm:s4], s20  }
0x9e: {  	_ =	swait.ge [sflag:s22], s20  }
0x9f: {  	s3 =	ssub.s32 $0x0, s20;
	[sflag:s22] =	ssyncset.done $0x0  }
0xa0: {  	[sflag:s22] =	ssyncadd.s32 s3;
	_ =	sdelay $0x1  }
0xa1: {  	s23 =	simm.s32 $0x1B8B  }
0xa2: {  	_ =	swait.ge [sflag:s23], $0x1  }
0xa3: {  	[sflag:s23] =	ssyncset.done $0x0  }
0xa4: {  	s25 =	simm.s32 $0x1B8E;
	s24 =	sld [smem:$0x3FFE];
	[sflag:s23] =	ssyncadd.s32 $0xFFFFFFFF  }
0xa5: {  	s26 =	simm.s32 $execute0_lowered;
	[smem:$0x3FD2] =	sst s25  }
0xa6: {  	s4 =	sshll.u32 s26, $0x1;
	_ =	strace $0x80000049;
	[dreg:$0x1] =	wrdreg $0xFFFFFFFF  }
0xa7: {  	s28 =	simm.s32 $_size_execute0_lowered;
	s2 =	sadd.s32 s2, s4;
	[dreg:$0x0] =	wrdreg $0x0  }
0xa8: {  	s4 =	sshll.u32 s28, $0x1;
	[dreg:$0x2] =	wrdreg s2  }
0xa9: {  	[dreg:$0x3] =	wrdreg s4  }
0xaa: {  	[dreg:$0x4] =	wrdreg $0xC0  }
0xab: {  	_ =	task [dreg:s6], $0x5FFFF  }
0xac: {  	[dreg:$0x1] =	wrdreg $0xFFFFFFFF  }
0xad: {  	[dreg:$0x0] =	wrdreg $0x60  }
0xae: {  	[dreg:$0x2] =	wrdreg s24  }
0xaf: {  	[dreg:$0x3] =	wrdreg $0x9  }
0xb0: {  	_ =	task.clear_ibuf [dreg:s6], $0x4FFFF;
	_ =	strace $0x90000049  }
0xb1: {  	s29 =	simm.s32 $0x9;
	_ =	strace $0x8000004B  }
0xb2: {  	_ =	swait.ge [sflag:s29], $0x1  }
0xb3: {  	[sflag:s29] =	ssyncadd.s32 $0xFFFFFFFF  }
0xb4: {  	_ =	strace $0x9000004B  }
0xb5: {  	_ =	sfence  }
0xb6: {  	s30 =	sld [smem:$0x0];
	_ =	sdelay $0x2  }
0xb7: {  	s31 =	sshll.u32 s1, $0xD;
	s1 =	sshrl.u32 s1, $0x2  }
0xb8: {  	s3 =	sand.u32 $0x4000, s31;
	s1 =	sadd.s32 s1, s30  }
0xb9: {  	s0 =	sor.u32 s3, s0;
	s1 =	sshll.u32 s1, $0x11  }
0xba: {  	s0 =	sor.u32 s1, s0  }
0xbb: {  	s0 =	sadd.s32 $0x8F2B, s0  }
0xbc: {  	[sflag:s0] =	ssyncadd.remote.s32 $0x1  }
0xbd: {  	_ =	sfence.sel $0xFFFF  }
0xbe: {  	[dreg:$0x0] =	wrdreg $0xFFFFFFFF;
	(pc) =	sbr.abs _section_cstart, $3  }
0xbf: {  	[dreg:$0x1] =	wrdreg $0xFFFFFFFF  }
0xc0: {  	_ =	task.clear_ibuf [dreg:s6], $0x2FFFF;
	_ =	strace $0x9FFFFFFF  }
0xc1: {  	(tm) =	ssettm $0x7FFFFFFF  }
tec
execute0_lowered:
.L_overlay_start_1:
0x0: {  	(tag) =	ssettag $0x1  }
0x1: {  	s0 =	rddreg [dreg:$0x0];
	s2 =	simm.s32 $0x0  }
0x2: {  	s1 =	srdreg.scid;
	s3 =	stileid.u32;
	s14 =	simm.s32 $0x2000  }
0x3: {  	s15 =	simm.s32 $0x4000;
	s16 =	simm.s32 $0x1;
	s17 =	simm.s32 $0x8000  }
0x4: {  	s18 =	simm.s32 $0x6000;
	s19 =	simm.s32 $0x2;
	s20 =	simm.s32 $0xA000  }
0x5: {  	s21 =	simm.s32 $0x3;
	s22 =	simm.s32 $0x7;
	s23 =	simm.s32 $0xC000  }
0x6: {  	s28 =	simm.s32 $0x5;
	s29 =	simm.s32 $0x6;
	s30 =	simm.s32 $0x0  }
0x7: {  	[smem:$0x7FF] =	sst s2;
	s1 =	sand.u32 $0x1, s1;
	s5 =	sshll.u32 s3, $0x13  }
0x8: {  	s3 =	sadd.s32 $0x800, s0;
	s4 =	sadd.s32 $0x400800, s0;
	s6 =	sshll.u32 s1, $0x12  }
0x9: {  	_ =	strace $0x8000004A;
	s24 =	ssub.s32 $0x2, s1;
	s5 =	sor.u32 s6, s5  }
0xa: {  	s7 =	sshrl.u32 s24, $0x1;
	s6 =	sor.u32 $0x1800000, s5;
	s25 =	sshrl.u32 s5, $0x3  }
0xb: {  	s0 =	ssub.s32 s24, s7;
	s10 =	sor.u32 $0x1808000, s5;
	s11 =	sor.u32 $0x180A000, s5  }
.Ltmp0:
0xc: {  	s8 =	sshrl.u32 s6, $0x3;
	s0 =	smax.u32 s0, $0x1;
	(pc) =	sbr.rel .LBB2_1-.Ltmp0, $4  }
0xd: {  	s1 =	sadd.s32 s25, s3;
	s26 =	sadd.s32 s3, s8;
	[dreg:$0x5] =	wrdreg s0  }
0xe: {  	s12 =	sor.u32 $0x180C000, s5;
	s31 =	sadd.s32 $0x300400, s1;
	[dreg:$0x2] =	wrdreg s26  }
0xf: {  	s24 =	simm.s32 $0x4;
	s1 =	sadd.s32 $0x300800, s1;
	[dreg:$0x3] =	wrdreg s31  }
0x10: {  	v0 =	vimm.s32 $0x0;
	s25 =	simm.s32 $0x8;
	[dreg:$0x4] =	wrdreg s1;
	s26 =	simm.s32 $0xE000  }
.LBB2_20:
0x11: {  	_ =	swait.ge [sflag:s28], $0x2000  }
0x12: {  	[sflag:s28] =	ssyncset.done $0x0  }
0x13: {  	[sflag:s28] =	ssyncadd.s32 $0xFFFFE000  }
0x14: {  	_ =	swait.ge [sflag:s29], $0x2000  }
0x15: {  	[sflag:s29] =	ssyncset.done $0x0  }
0x16: {  	[sflag:s29] =	ssyncadd.s32 $0xFFFFE000  }
0x17: {  	_ =	swait.ge [sflag:s22], $0x2000  }
0x18: {  	[sflag:s22] =	ssyncset.done $0x0  }
0x19: {  	[sflag:s22] =	ssyncadd.s32 $0xFFFFE000  }
0x1a: {  	_ =	swait.ge [sflag:s25], $0x2000  }
0x1b: {  	s30 =	sadd.s32 $0x1, s30;
	s0 =	rddreg [dreg:$0x5]  }
0x1c: {  	p0 =	sne.s32 s30, s0  }
.Ltmp1:
0x1d: {  	_ = 	snop;
	(pc) =	sbr.rel @!p0 .LBB2_21-.Ltmp1, $3  }
0x1e: {  	_ =	sdelay $0x1  }
0x1f: {  	[sflag:s25] =	ssyncset.done $0x0  }
0x20: {  	[sflag:s25] =	ssyncadd.s32 $0xFFFFE000  }
.LBB2_1:
0x21: {  	s0 =	rddreg [dreg:$0x2]  }
0x22: {  	[tilespmem:s2], [sflag:$0x1] =	stream.linear.gather [hbm4b:s0+s2], $0x2000, $0x38;
	[tilespmem:$0x10000] =	vst v63  }
0x23: {  	s9 =	rddreg [dreg:$0x3]  }
0x24: {  	[tilespmem:s14], [sflag:$0x2] =	stream.linear.gather [hbm4b:s9+s2], $0x2000, $0x38;
	[tilespmem:$0x10000] =	vst v63  }
0x25: {  	s13 =	rddreg [dreg:$0x4];
	s31 =	simm.s32 $0x0  }
0x26: {  	[tilespmem:s15], [sflag:$0x3] =	stream.linear.gather [hbm4b:s13+s2], $0x2000, $0x38;
	[tilespmem:$0x10000] =	vst v63  }
.LBB2_2:
0x27: {  	_ =	swait.ge [sflag:s16], $0x2000  }
0x28: {  	p0 =	seq.s32 s31, $0x0;
	[sflag:s16] =	ssyncset.done $0x0  }
0x29: {  	s0 =	simm.s32 @!p0 $0x5;
	[sflag:s16] =	ssyncadd.s32 $0xFFFFE000  }
0x2a: {  	_ =	swait.ge @!p0 [sflag:s0], $0x2000  }
0x2b: {  	[sflag:s0] =	ssyncset.done @!p0 $0x0  }
0x2c: {  	s1 =	simm.s32 $0x0;
	[sflag:s0] =	ssyncadd.s32 @!p0 $0xFFFFE000  }
0x2d: {  	v1 =	vld [tilespmem:s1+$0x70]  }
0x2e: {  	v2 =	vld [tilespmem:s1+$0x0]  }
0x2f: {  	v3 =	vld [tilespmem:s1+$0x10]  }
0x30: {  	v4 =	vld [tilespmem:s1+$0x20]  }
0x31: {  	v5 =	vld [tilespmem:s1+$0x30]  }
0x32: {  	v6 =	vld [tilespmem:s1+$0x40]  }
0x33: {  	v7 =	vld [tilespmem:s1+$0x50]  }
0x34: {  	v8 =	vld [tilespmem:s1+$0x60]  }
0x35: {  	v1 =	vmul.f32 $4.058451080e+01, v1  }
0x36: {  	v2 =	vmul.f32 $4.058451080e+01, v2;
	v3 =	vmul.f32 $4.058451080e+01, v3  }
0x37: {  	v4 =	vmul.f32 $4.058451080e+01, v4;
	v5 =	vmul.f32 $4.058451080e+01, v5  }
0x38: {  	v6 =	vmul.f32 $4.058451080e+01, v6;
	v7 =	vmul.f32 $4.058451080e+01, v7  }
0x39: {  	v8 =	vmul.f32 $4.058451080e+01, v8;
	v9 =	vtrunc.f32 v1  }
0x3a: {  	vm0 =	vgt.f32 v1, $0.0e+00;
	v1 =	vtrunc.f32 v2;
	v11 =	vtrunc.f32 v3  }
0x3b: {  	v58 =	vtrunc.f32 v4;
	v12 =	vtrunc.f32 v5  }
0x3c: {  	v13 =	vtrunc.f32 v6;
	v14 =	vtrunc.f32 v7  }
0x3d: {  	vm1 =	vgt.f32 v3, $0.0e+00;
	vm2 =	vgt.f32 v4, $0.0e+00;
	vm3 =	vgt.f32 v5, $0.0e+00  }
0x3e: {  	vm4 =	vgt.f32 v6, $0.0e+00;
	vm5 =	vgt.f32 v7, $0.0e+00;
	v9 =	vcvt.f32.s32 v9  }
0x3f: {  	vm6 =	vgt.f32 v8, $0.0e+00;
	v1 =	vcvt.f32.s32 v1;
	v11 =	vcvt.f32.s32 v11  }
0x40: {  	v10 =	vsel vm0, $0x1, v0;
	v3 =	vcvt.f32.s32 v58;
	v59 =	vcvt.f32.s32 v12  }
0x41: {  	v60 =	vcvt.f32.s32 v13;
	v5 =	vcvt.f32.s32 v14;
	v6 =	vsel vm1, $0x1, v0  }
0x42: {  	v7 =	vsel vm2, $0x1, v0;
	v62 =	vsel vm4, $0x1, v0;
	v9 =	vadd.s32 v9, v10  }
0x43: {  	v15 =	vsel vm5, $0x1, v0;
	v63 =	vsel vm6, $0x1, v0;
	vm0 =	vgt.s32 v9, $0x0  }
0x44: {  	v9 =	vnsel vm0, $0x0, v9;
	vm0 =	vgt.f32 v2, $0.0e+00;
	v2 =	vtrunc.f32 v8  }
0x45: {  	v8 =	vsel vm3, $0x1, v0;
	v61 =	vcvt.f32.s32 v2;
	v2 =	vsel vm0, $0x1, v0  }
0x46: {  	v9 =	vmin.u32 v9, $0x100;
	v4 =	vadd.s32 v1, v2;
	v1 =	vadd.s32 v11, v6  }
0x47: {  	v6 =	vadd.s32 v3, v7;
	v2 =	vadd.s32 v59, v8;
	v3 =	vadd.s32 v60, v62  }
0x48: {  	s8 =	simm.s32 $0x80;
	s7 =	simm.s32 $0x400;
	s0 =	sshll.u32 s31, $0xF;
	[tilespmem:s1+$0x8070] =	vst v9;
	v7 =	vadd.s32 v5, v15;
	vm0 =	vgt.s32 v4, $0x0;
	v5 =	vadd.s32 v61, v63  }
.LBB2_3:
0x49: {  	p1 =	sne.s32 s7, $0x7E00;
	v8 =	vld [tilespmem:s8+$0x70];
	vm1 =	vgt.s32 v1, $0x0;
	vm2 =	vgt.s32 v6, $0x0;
	vm3 =	vgt.s32 v2, $0x0  }
0x4a: {  	vm4 =	vgt.s32 v3, $0x0;
	vm5 =	vgt.s32 v7, $0x0;
	vm6 =	vgt.s32 v5, $0x0;
	v9 =	vld [tilespmem:s8+$0x0]  }
0x4b: {  	v4 =	vnsel vm0, $0x0, v4;
	v1 =	vnsel vm1, $0x0, v1;
	v6 =	vnsel vm2, $0x0, v6;
	v10 =	vld [tilespmem:s8+$0x10]  }
0x4c: {  	v2 =	vnsel vm3, $0x0, v2;
	v3 =	vnsel vm4, $0x0, v3;
	v7 =	vnsel vm5, $0x0, v7;
	v11 =	vld [tilespmem:s8+$0x20]  }
0x4d: {  	v4 =	vmin.u32 v4, $0x100;
	v5 =	vnsel vm6, $0x0, v5;
	v1 =	vmin.u32 v1, $0x100;
	v12 =	vld [tilespmem:s8+$0x30]  }
0x4e: {  	v2 =	vmin.u32 v2, $0x100;
	v13 =	vld [tilespmem:s8+$0x40];
	v8 =	vmul.f32 $4.058451080e+01, v8;
	[tilespmem:s1+$0x8000] =	vst v4;
	v4 =	vmin.u32 v6, $0x100  }
0x4f: {  	v6 =	vmul.f32 $4.058451080e+01, v9;
	v9 =	vld [tilespmem:s8+$0x50];
	[tilespmem:s1+$0x8010] =	vst v1;
	v1 =	vmin.u32 v3, $0x100;
	v3 =	vmin.u32 v7, $0x100  }
0x50: {  	v7 =	vmul.f32 $4.058451080e+01, v10;
	v10 =	vld [tilespmem:s8+$0x60];
	v14 =	vtrunc.f32 v8;
	[tilespmem:s1+$0x8020] =	vst v4;
	v4 =	vmin.u32 v5, $0x100  }
0x51: {  	vm0 =	vgt.f32 v8, $0.0e+00;
	v5 =	vmul.f32 $4.058451080e+01, v11;
	v11 =	vcvt.f32.s32 v14;
	[tilespmem:s1+$0x8030] =	vst v2  }
0x52: {  	v2 =	vtrunc.f32 v6;
	v8 =	vmul.f32 $4.058451080e+01, v12;
	v12 =	vsel vm0, $0x1, v0;
	[tilespmem:s1+$0x8040] =	vst v1  }
0x53: {  	v1 =	vtrunc.f32 v7;
	v13 =	vmul.f32 $4.058451080e+01, v13;
	v11 =	vadd.s32 v11, v12;
	[tilespmem:s1+$0x8050] =	vst v3  }
0x54: {  	v3 =	vtrunc.f32 v5;
	v9 =	vmul.f32 $4.058451080e+01, v9;
	vm0 =	vgt.s32 v11, $0x0;
	[tilespmem:s1+$0x8060] =	vst v4;
	s1 =	smov.u32 s8  }
0x55: {  	v4 =	vtrunc.f32 v8;
	v10 =	vmul.f32 $4.058451080e+01, v10;
	v11 =	vnsel vm0, $0x0, v11  }
0x56: {  	v12 =	vtrunc.f32 v13;
	v14 =	vtrunc.f32 v9;
	v11 =	vmin.u32 v11, $0x100  }
0x57: {  	v2 =	vcvt.f32.s32 v2;
	vm0 =	vgt.f32 v6, $0.0e+00;
	v6 =	vtrunc.f32 v10;
	[tilespmem:s1+$0x8070] =	vst v11  }
0x58: {  	vm1 =	vgt.f32 v7, $0.0e+00;
	v1 =	vcvt.f32.s32 v1;
	v3 =	vcvt.f32.s32 v3  }
0x59: {  	vm2 =	vgt.f32 v5, $0.0e+00;
	v5 =	vcvt.f32.s32 v4;
	v7 =	vcvt.f32.s32 v12  }
0x5a: {  	vm3 =	vgt.f32 v8, $0.0e+00;
	v8 =	vcvt.f32.s32 v14;
	v11 =	vcvt.f32.s32 v6  }
0x5b: {  	vm4 =	vgt.f32 v13, $0.0e+00;
	vm5 =	vgt.f32 v9, $0.0e+00;
	vm6 =	vgt.f32 v10, $0.0e+00  }
.Ltmp2:
0x5c: {  	v4 =	vsel vm0, $0x1, v0;
	v9 =	vsel vm2, $0x1, v0;
	v6 =	vsel vm1, $0x1, v0;
	(pc) =	sbr.rel @p1 .LBB2_3-.Ltmp2, $4  }
0x5d: {  	v12 =	vsel vm4, $0x1, v0;
	v10 =	vsel vm3, $0x1, v0;
	v13 =	vsel vm5, $0x1, v0  }
0x5e: {  	v4 =	vadd.s32 v2, v4;
	v14 =	vsel vm6, $0x1, v0;
	v1 =	vadd.s32 v1, v6  }
0x5f: {  	v2 =	vadd.s32 v5, v10;
	v6 =	vadd.s32 v3, v9;
	v3 =	vadd.s32 v7, v12  }
0x60: {  	s8 =	sshra.s32 s7, $0x2;
	s7 =	sadd.s32 $0x200, s7;
	vm0 =	vgt.s32 v4, $0x0;
	v7 =	vadd.s32 v8, v13;
	v5 =	vadd.s32 v11, v14  }
0x61: {  	v8 =	vld [tilespmem:s8+$0x70]  }
0x62: {  	v9 =	vld [tilespmem:s8+$0x0]  }
0x63: {  	vm1 =	vgt.s32 v1, $0x0;
	vm2 =	vgt.s32 v6, $0x0;
	v10 =	vld [tilespmem:s8+$0x10]  }
0x64: {  	vm3 =	vgt.s32 v2, $0x0;
	vm4 =	vgt.s32 v3, $0x0;
	vm5 =	vgt.s32 v7, $0x0;
	v11 =	vld [tilespmem:s8+$0x20]  }
0x65: {  	vm6 =	vgt.s32 v5, $0x0;
	v4 =	vnsel vm0, $0x0, v4;
	v12 =	vld [tilespmem:s8+$0x30];
	v1 =	vnsel vm1, $0x0, v1  }
0x66: {  	v13 =	vld [tilespmem:s8+$0x40];
	v6 =	vnsel vm2, $0x0, v6;
	v2 =	vnsel vm3, $0x0, v2;
	v3 =	vnsel vm4, $0x0, v3  }
0x67: {  	v7 =	vnsel vm5, $0x0, v7;
	v4 =	vmin.u32 v4, $0x100;
	v5 =	vnsel vm6, $0x0, v5  }
0x68: {  	v1 =	vmin.u32 v1, $0x100;
	[tilespmem:s1+$0x8000] =	vst v4;
	v4 =	vmin.u32 v6, $0x100;
	v2 =	vmin.u32 v2, $0x100  }
0x69: {  	v3 =	vmin.u32 v3, $0x100;
	v8 =	vmul.f32 $4.058451080e+01, v8;
	v6 =	vmul.f32 $4.058451080e+01, v9  }
0x6a: {  	v41 =	vld [tilespmem:s8+$0x50];
	[tilespmem:s1+$0x8010] =	vst v1;
	v1 =	vmin.u32 v7, $0x100;
	v7 =	vmul.f32 $4.058451080e+01, v10;
	v11 =	vmul.f32 $4.058451080e+01, v11  }
0x6b: {  	v5 =	vmin.u32 v5, $0x100;
	v12 =	vmul.f32 $4.058451080e+01, v12;
	v13 =	vmul.f32 $4.058451080e+01, v13  }
0x6c: {  	v42 =	vtrunc.f32 v8;
	vm0 =	vgt.f32 v8, $0.0e+00;
	v8 =	vtrunc.f32 v6  }
0x6d: {  	v14 =	vld [tilespmem:s8+$0x60];
	v43 =	vtrunc.f32 v7;
	vm2 =	vgt.f32 v7, $0.0e+00;
	v7 =	vtrunc.f32 v12  }
0x6e: {  	v44 =	vtrunc.f32 v13;
	vm3 =	vgt.f32 v12, $0.0e+00;
	v10 =	vcvt.f32.s32 v42  }
0x6f: {  	v15 =	vsel vm0, $0x1, v0;
	vm0 =	vgt.f32 v6, $0.0e+00;
	v6 =	vtrunc.f32 v11  }
0x70: {  	vm11 =	vgt.f32 v13, $0.0e+00;
	v9 =	vmul.f32 $4.058451080e+01, v41;
	v8 =	vcvt.f32.s32 v8  }
0x71: {  	[tilespmem:s1+$0x8020] =	vst v4;
	v7 =	vcvt.f32.s32 v7;
	v4 =	vsel vm2, $0x1, v0;
	v49 =	vsel vm3, $0x1, v0  }
0x72: {  	[tilespmem:s1+$0x8030] =	vst v2;
	v2 =	vsel vm11, $0x1, v0;
	v14 =	vmul.f32 $4.058451080e+01, v14;
	v46 =	vsel vm0, $0x1, v0  }
0x73: {  	v6 =	vcvt.f32.s32 v6;
	v10 =	vadd.s32 v10, v15;
	v45 =	vtrunc.f32 v9  }
0x74: {  	v8 =	vadd.s32 v8, v46;
	v15 =	vcvt.f32.s32 v43;
	vm0 =	vgt.f32 v9, $0.0e+00  }
0x75: {  	v7 =	vadd.s32 v7, v49;
	vm1 =	vgt.s32 v10, $0x0;
	v47 =	vtrunc.f32 v14  }
0x76: {  	v12 =	vcvt.f32.s32 v45;
	vm12 =	vgt.f32 v14, $0.0e+00;
	v50 =	vsel vm0, $0x1, v0  }
0x77: {  	vm0 =	vgt.s32 v8, $0x0;
	v10 =	vnsel vm1, $0x0, v10;
	vm1 =	vgt.f32 v11, $0.0e+00  }
0x78: {  	v11 =	vcvt.f32.s32 v44;
	v13 =	vcvt.f32.s32 v47;
	v4 =	vadd.s32 v15, v4  }
0x79: {  	[tilespmem:s1+$0x8040] =	vst v3;
	v10 =	vmin.u32 v10, $0x100;
	v48 =	vsel vm1, $0x1, v0;
	vm1 =	vgt.s32 v4, $0x0  }
0x7a: {  	[tilespmem:s1+$0x8050] =	vst v1;
	v3 =	vadd.s32 v6, v48;
	v6 =	vsel vm12, $0x1, v0;
	v1 =	vadd.s32 v11, v2  }
0x7b: {  	[tilespmem:s1+$0x8060] =	vst v5;
	v2 =	vadd.s32 v12, v50;
	v4 =	vnsel vm1, $0x0, v4;
	v5 =	vadd.s32 v13, v6  }
0x7c: {  	[tilespmem:s8+$0x8070] =	vst v10;
	v6 =	vnsel vm0, $0x0, v8;
	vm0 =	vgt.s32 v3, $0x0;
	v4 =	vmin.u32 v4, $0x100  }
0x7d: {  	vm1 =	vgt.s32 v7, $0x0;
	v6 =	vmin.u32 v6, $0x100;
	v3 =	vnsel vm0, $0x0, v3;
	[tilespmem:s8+$0x8010] =	vst v4  }
0x7e: {  	vm0 =	vgt.s32 v1, $0x0;
	[tilespmem:s8+$0x8000] =	vst v6;
	v6 =	vnsel vm1, $0x0, v7;
	v3 =	vmin.u32 v3, $0x100  }
0x7f: {  	vm1 =	vgt.s32 v2, $0x0;
	v1 =	vnsel vm0, $0x0, v1;
	v4 =	vmin.u32 v6, $0x100;
	[tilespmem:s8+$0x8020] =	vst v3  }
0x80: {  	vm0 =	vgt.s32 v5, $0x0;
	v2 =	vnsel vm1, $0x0, v2;
	v1 =	vmin.u32 v1, $0x100;
	[tilespmem:s8+$0x8030] =	vst v4  }
0x81: {  	s9 =	sor.u32 s5, s0;
	v3 =	vnsel vm0, $0x0, v5;
	v2 =	vmin.u32 v2, $0x100;
	[tilespmem:s8+$0x8040] =	vst v1  }
0x82: {  	s7 =	sshrl.u32 s9, $0x3;
	v1 =	vmin.u32 v3, $0x100;
	[tilespmem:s8+$0x8050] =	vst v2  }
0x83: {  	s1 =	sadd.s32 s4, s7;
	[tilespmem:s8+$0x8060] =	vst v1  }
0x84: {  	[hbm4b:s1+s2] =	stream.linear.scatter [tilespmem:s17], [sflag:$0x5], $0x2000, $0x38;
	[tilespmem:$0x10000] =	vst v63  }
0x85: {  	s1 =	sor.u32 $0x6000, s0  }
0x86: {  	s13 =	sor.u32 s6, s1  }
0x87: {  	s8 =	sshrl.u32 s13, $0x3  }
0x88: {  	s8 =	sadd.s32 s3, s8  }
0x89: {  	[tilespmem:s18], [sflag:$0x4] =	stream.linear.gather [hbm4b:s8+s2], $0x2000, $0x38;
	[tilespmem:$0x10000] =	vst v63  }
0x8a: {  	_ =	swait.ge [sflag:s19], $0x2000  }
0x8b: {  	[sflag:s19] =	ssyncset.done $0x0  }
0x8c: {  	s8 =	simm.s32 @!p0 $0x6;
	[sflag:s19] =	ssyncadd.s32 $0xFFFFE000  }
0x8d: {  	_ =	swait.ge @!p0 [sflag:s8], $0x2000  }
0x8e: {  	[sflag:s8] =	ssyncset.done @!p0 $0x0  }
0x8f: {  	[sflag:s8] =	ssyncadd.s32 @!p0 $0xFFFFE000;
	s8 =	simm.s32 $0x0  }
0x90: {  	v1 =	vld [tilespmem:s8+$0x2070]  }
0x91: {  	v2 =	vld [tilespmem:s8+$0x2000]  }
0x92: {  	v3 =	vld [tilespmem:s8+$0x2010]  }
0x93: {  	v4 =	vld [tilespmem:s8+$0x2020]  }
0x94: {  	v5 =	vld [tilespmem:s8+$0x2030]  }
0x95: {  	v6 =	vld [tilespmem:s8+$0x2040]  }
0x96: {  	v7 =	vld [tilespmem:s8+$0x2050]  }
0x97: {  	v8 =	vld [tilespmem:s8+$0x2060]  }
0x98: {  	v1 =	vmul.f32 $4.058451080e+01, v1  }
0x99: {  	v2 =	vmul.f32 $4.058451080e+01, v2;
	v3 =	vmul.f32 $4.058451080e+01, v3  }
0x9a: {  	v4 =	vmul.f32 $4.058451080e+01, v4;
	v5 =	vmul.f32 $4.058451080e+01, v5  }
0x9b: {  	v6 =	vmul.f32 $4.058451080e+01, v6;
	v7 =	vmul.f32 $4.058451080e+01, v7  }
0x9c: {  	v8 =	vmul.f32 $4.058451080e+01, v8;
	v51 =	vtrunc.f32 v1  }
0x9d: {  	vm0 =	vgt.f32 v1, $0.0e+00;
	v1 =	vtrunc.f32 v2;
	v53 =	vtrunc.f32 v3  }
0x9e: {  	v54 =	vtrunc.f32 v4;
	v55 =	vtrunc.f32 v5  }
0x9f: {  	v56 =	vtrunc.f32 v6;
	v57 =	vtrunc.f32 v7  }
0xa0: {  	vm1 =	vgt.f32 v3, $0.0e+00;
	vm2 =	vgt.f32 v4, $0.0e+00;
	vm3 =	vgt.f32 v5, $0.0e+00  }
0xa1: {  	vm13 =	vgt.f32 v6, $0.0e+00;
	vm14 =	vgt.f32 v7, $0.0e+00;
	v9 =	vcvt.f32.s32 v51  }
0xa2: {  	vm15 =	vgt.f32 v8, $0.0e+00;
	v1 =	vcvt.f32.s32 v1;
	v11 =	vcvt.f32.s32 v53  }
0xa3: {  	v52 =	vsel vm0, $0x1, v0;
	v3 =	vcvt.f32.s32 v54;
	v4 =	vcvt.f32.s32 v55  }
0xa4: {  	v58 =	vcvt.f32.s32 v56;
	v59 =	vcvt.f32.s32 v57;
	v6 =	vsel vm1, $0x1, v0  }
0xa5: {  	v7 =	vsel vm2, $0x1, v0;
	v61 =	vsel vm13, $0x1, v0;
	v9 =	vadd.s32 v9, v52  }
0xa6: {  	v62 =	vsel vm14, $0x1, v0;
	v63 =	vsel vm15, $0x1, v0;
	vm0 =	vgt.s32 v9, $0x0  }
0xa7: {  	v9 =	vnsel vm0, $0x0, v9;
	vm0 =	vgt.f32 v2, $0.0e+00;
	v2 =	vtrunc.f32 v8  }
0xa8: {  	v8 =	vsel vm3, $0x1, v0;
	v60 =	vcvt.f32.s32 v2;
	v2 =	vsel vm0, $0x1, v0  }
0xa9: {  	v9 =	vmin.u32 v9, $0x100;
	v5 =	vadd.s32 v1, v2;
	v1 =	vadd.s32 v11, v6  }
0xaa: {  	v6 =	vadd.s32 v3, v7;
	v2 =	vadd.s32 v4, v8;
	v3 =	vadd.s32 v58, v61  }
0xab: {  	s9 =	simm.s32 $0x80;
	s13 =	simm.s32 $0x400;
	[tilespmem:s8+$0xA070] =	vst v9;
	v7 =	vadd.s32 v59, v62;
	vm0 =	vgt.s32 v5, $0x0;
	v4 =	vadd.s32 v60, v63  }
.LBB2_5:
0xac: {  	p1 =	sne.s32 s13, $0x7E00;
	v8 =	vld [tilespmem:s9+$0x2070];
	vm1 =	vgt.s32 v1, $0x0;
	vm2 =	vgt.s32 v6, $0x0;
	vm3 =	vgt.s32 v2, $0x0  }
0xad: {  	vm4 =	vgt.s32 v3, $0x0;
	vm5 =	vgt.s32 v7, $0x0;
	vm6 =	vgt.s32 v4, $0x0;
	v9 =	vld [tilespmem:s9+$0x2000]  }
0xae: {  	v5 =	vnsel vm0, $0x0, v5;
	v1 =	vnsel vm1, $0x0, v1;
	v6 =	vnsel vm2, $0x0, v6;
	v10 =	vld [tilespmem:s9+$0x2010]  }
0xaf: {  	v2 =	vnsel vm3, $0x0, v2;
	v3 =	vnsel vm4, $0x0, v3;
	v7 =	vnsel vm5, $0x0, v7;
	v11 =	vld [tilespmem:s9+$0x2020]  }
0xb0: {  	v5 =	vmin.u32 v5, $0x100;
	v4 =	vnsel vm6, $0x0, v4;
	v1 =	vmin.u32 v1, $0x100;
	v12 =	vld [tilespmem:s9+$0x2030]  }
0xb1: {  	v2 =	vmin.u32 v2, $0x100;
	v13 =	vld [tilespmem:s9+$0x2040];
	v8 =	vmul.f32 $4.058451080e+01, v8;
	[tilespmem:s8+$0xA000] =	vst v5;
	v5 =	vmin.u32 v6, $0x100  }
0xb2: {  	v6 =	vmul.f32 $4.058451080e+01, v9;
	v9 =	vld [tilespmem:s9+$0x2050];
	[tilespmem:s8+$0xA010] =	vst v1;
	v1 =	vmin.u32 v3, $0x100;
	v3 =	vmin.u32 v7, $0x100  }
0xb3: {  	v4 =	vmin.u32 v4, $0x100;
	v7 =	vmul.f32 $4.058451080e+01, v10;
	v10 =	vld [tilespmem:s9+$0x2060];
	v14 =	vtrunc.f32 v8;
	[tilespmem:s8+$0xA020] =	vst v5  }
0xb4: {  	vm0 =	vgt.f32 v8, $0.0e+00;
	v5 =	vmul.f32 $4.058451080e+01, v11;
	v11 =	vcvt.f32.s32 v14;
	[tilespmem:s8+$0xA030] =	vst v2  }
0xb5: {  	v2 =	vtrunc.f32 v6;
	v8 =	vmul.f32 $4.058451080e+01, v12;
	v12 =	vsel vm0, $0x1, v0;
	[tilespmem:s8+$0xA040] =	vst v1  }
0xb6: {  	v1 =	vtrunc.f32 v7;
	v13 =	vmul.f32 $4.058451080e+01, v13;
	v11 =	vadd.s32 v11, v12;
	[tilespmem:s8+$0xA050] =	vst v3  }
0xb7: {  	v3 =	vtrunc.f32 v5;
	v9 =	vmul.f32 $4.058451080e+01, v9;
	vm0 =	vgt.s32 v11, $0x0;
	[tilespmem:s8+$0xA060] =	vst v4;
	s8 =	smov.u32 s9  }
0xb8: {  	v4 =	vtrunc.f32 v8;
	v10 =	vmul.f32 $4.058451080e+01, v10;
	v11 =	vnsel vm0, $0x0, v11  }
0xb9: {  	v12 =	vtrunc.f32 v13;
	v14 =	vtrunc.f32 v9;
	v11 =	vmin.u32 v11, $0x100  }
0xba: {  	v2 =	vcvt.f32.s32 v2;
	vm0 =	vgt.f32 v6, $0.0e+00;
	v6 =	vtrunc.f32 v10;
	[tilespmem:s8+$0xA070] =	vst v11  }
0xbb: {  	vm1 =	vgt.f32 v7, $0.0e+00;
	v1 =	vcvt.f32.s32 v1;
	v3 =	vcvt.f32.s32 v3  }
0xbc: {  	vm2 =	vgt.f32 v5, $0.0e+00;
	v4 =	vcvt.f32.s32 v4;
	v7 =	vcvt.f32.s32 v12  }
0xbd: {  	vm3 =	vgt.f32 v8, $0.0e+00;
	v8 =	vcvt.f32.s32 v14;
	v11 =	vcvt.f32.s32 v6  }
0xbe: {  	vm4 =	vgt.f32 v13, $0.0e+00;
	vm5 =	vgt.f32 v9, $0.0e+00;
	vm6 =	vgt.f32 v10, $0.0e+00  }
.Ltmp3:
0xbf: {  	v5 =	vsel vm0, $0x1, v0;
	v9 =	vsel vm2, $0x1, v0;
	v6 =	vsel vm1, $0x1, v0;
	(pc) =	sbr.rel @p1 .LBB2_5-.Ltmp3, $4  }
0xc0: {  	v12 =	vsel vm4, $0x1, v0;
	v10 =	vsel vm3, $0x1, v0;
	v13 =	vsel vm5, $0x1, v0  }
0xc1: {  	v5 =	vadd.s32 v2, v5;
	v14 =	vsel vm6, $0x1, v0;
	v1 =	vadd.s32 v1, v6  }
0xc2: {  	v2 =	vadd.s32 v4, v10;
	v6 =	vadd.s32 v3, v9;
	v3 =	vadd.s32 v7, v12  }
0xc3: {  	s9 =	sshra.s32 s13, $0x2;
	s13 =	sadd.s32 $0x200, s13;
	vm0 =	vgt.s32 v5, $0x0;
	v7 =	vadd.s32 v8, v13;
	v4 =	vadd.s32 v11, v14  }
0xc4: {  	v8 =	vld [tilespmem:s9+$0x2070]  }
0xc5: {  	v9 =	vld [tilespmem:s9+$0x2000]  }
0xc6: {  	vm1 =	vgt.s32 v1, $0x0;
	vm2 =	vgt.s32 v6, $0x0;
	v10 =	vld [tilespmem:s9+$0x2010]  }
0xc7: {  	vm3 =	vgt.s32 v2, $0x0;
	vm4 =	vgt.s32 v3, $0x0;
	vm5 =	vgt.s32 v7, $0x0;
	v11 =	vld [tilespmem:s9+$0x2020]  }
0xc8: {  	vm6 =	vgt.s32 v4, $0x0;
	v5 =	vnsel vm0, $0x0, v5;
	v12 =	vld [tilespmem:s9+$0x2030];
	v1 =	vnsel vm1, $0x0, v1  }
0xc9: {  	v13 =	vld [tilespmem:s9+$0x2040];
	v6 =	vnsel vm2, $0x0, v6;
	v2 =	vnsel vm3, $0x0, v2;
	v3 =	vnsel vm4, $0x0, v3  }
0xca: {  	v7 =	vnsel vm5, $0x0, v7;
	v5 =	vmin.u32 v5, $0x100;
	v4 =	vnsel vm6, $0x0, v4  }
0xcb: {  	v1 =	vmin.u32 v1, $0x100;
	v42 =	vmin.u32 v6, $0x100;
	v2 =	vmin.u32 v2, $0x100  }
0xcc: {  	v3 =	vmin.u32 v3, $0x100;
	v8 =	vmul.f32 $4.058451080e+01, v8;
	v43 =	vmul.f32 $4.058451080e+01, v9  }
0xcd: {  	[tilespmem:s8+$0xA000] =	vst v5;
	v4 =	vmin.u32 v4, $0x100;
	v45 =	vmul.f32 $4.058451080e+01, v10;
	v11 =	vmul.f32 $4.058451080e+01, v11  }
0xce: {  	v44 =	vld [tilespmem:s9+$0x2050];
	[tilespmem:s8+$0xA010] =	vst v1;
	v1 =	vmin.u32 v7, $0x100;
	v12 =	vmul.f32 $4.058451080e+01, v12;
	v13 =	vmul.f32 $4.058451080e+01, v13  }
0xcf: {  	v46 =	vtrunc.f32 v8;
	vm8 =	vgt.f32 v8, $0.0e+00;
	v47 =	vtrunc.f32 v43  }
0xd0: {  	v48 =	vtrunc.f32 v45;
	vm9 =	vgt.f32 v43, $0.0e+00;
	v49 =	vtrunc.f32 v11  }
0xd1: {  	vm11 =	vgt.f32 v45, $0.0e+00;
	v50 =	vtrunc.f32 v12;
	vm12 =	vgt.f32 v11, $0.0e+00  }
0xd2: {  	v14 =	vld [tilespmem:s9+$0x2060];
	v51 =	vtrunc.f32 v13;
	vm13 =	vgt.f32 v12, $0.0e+00;
	vm14 =	vgt.f32 v13, $0.0e+00  }
0xd3: {  	v10 =	vcvt.f32.s32 v46;
	v15 =	vsel vm8, $0x1, v0;
	v9 =	vmul.f32 $4.058451080e+01, v44  }
0xd4: {  	v8 =	vcvt.f32.s32 v47;
	v53 =	vsel vm9, $0x1, v0;
	v6 =	vcvt.f32.s32 v49  }
0xd5: {  	v7 =	vcvt.f32.s32 v50;
	v11 =	vcvt.f32.s32 v51;
	v55 =	vsel vm11, $0x1, v0  }
0xd6: {  	[tilespmem:s8+$0xA030] =	vst v2;
	v56 =	vsel vm12, $0x1, v0;
	v57 =	vsel vm13, $0x1, v0;
	v2 =	vsel vm14, $0x1, v0  }
0xd7: {  	v14 =	vmul.f32 $4.058451080e+01, v14;
	v10 =	vadd.s32 v10, v15;
	v52 =	vtrunc.f32 v9  }
0xd8: {  	[tilespmem:s8+$0xA040] =	vst v3;
	v8 =	vadd.s32 v8, v53;
	v15 =	vcvt.f32.s32 v48;
	vm15 =	vgt.f32 v9, $0.0e+00  }
0xd9: {  	[tilespmem:s8+$0xA050] =	vst v1;
	v3 =	vadd.s32 v6, v56;
	v7 =	vadd.s32 v7, v57;
	v1 =	vadd.s32 v11, v2  }
0xda: {  	vm10 =	vgt.s32 v10, $0x0;
	v54 =	vtrunc.f32 v14;
	v12 =	vcvt.f32.s32 v52  }
0xdb: {  	vm8 =	vgt.f32 v14, $0.0e+00;
	v58 =	vsel vm15, $0x1, v0;
	vm9 =	vgt.s32 v8, $0x0  }
0xdc: {  	vm11 =	vgt.s32 v3, $0x0;
	vm12 =	vgt.s32 v7, $0x0;
	vm13 =	vgt.s32 v1, $0x0  }
0xdd: {  	[tilespmem:s8+$0xA020] =	vst v42;
	v10 =	vnsel vm10, $0x0, v10;
	v13 =	vcvt.f32.s32 v54;
	v5 =	vadd.s32 v15, v55  }
0xde: {  	[tilespmem:s8+$0xA060] =	vst v4;
	v59 =	vsel vm8, $0x1, v0;
	v61 =	vnsel vm9, $0x0, v8;
	v10 =	vmin.u32 v10, $0x100  }
0xdf: {  	v3 =	vnsel vm11, $0x0, v3;
	v62 =	vnsel vm12, $0x0, v7;
	v6 =	vmin.u32 v61, $0x100;
	[tilespmem:s9+$0xA070] =	vst v10  }
0xe0: {  	v1 =	vnsel vm13, $0x0, v1;
	v2 =	vadd.s32 v12, v58;
	v3 =	vmin.u32 v3, $0x100;
	[tilespmem:s9+$0xA000] =	vst v6  }
0xe1: {  	vm10 =	vgt.s32 v5, $0x0;
	v63 =	vmin.u32 v62, $0x100;
	v1 =	vmin.u32 v1, $0x100;
	[tilespmem:s9+$0xA020] =	vst v3  }
0xe2: {  	p1 =	sne.s32 s31, $0x7;
	v60 =	vadd.s32 v13, v59;
	v5 =	vnsel vm10, $0x0, v5;
	vm14 =	vgt.s32 v2, $0x0;
	[tilespmem:s9+$0xA030] =	vst v63  }
.Ltmp4:
0xe3: {  	[tilespmem:s9+$0xA040] =	vst v1;
	v5 =	vmin.u32 v5, $0x100;
	vm15 =	vgt.s32 v60, $0x0;
	v2 =	vnsel vm14, $0x0, v2;
	(pc) =	sbr.rel @p1 .LBB2_8-.Ltmp4, $4  }
0xe4: {  	[tilespmem:s9+$0xA010] =	vst v5;
	v3 =	vnsel vm15, $0x0, v60;
	v2 =	vmin.u32 v2, $0x100  }
0xe5: {  	s7 =	sadd.s32 s7, s4;
	v1 =	vmin.u32 v3, $0x100;
	[tilespmem:s9+$0xA050] =	vst v2  }
0xe6: {  	s13 =	sadd.s32 $0x400, s7;
	[tilespmem:s9+$0xA060] =	vst v1  }
0xe7: {  	[hbm4b:s13+s2] =	stream.linear.scatter [tilespmem:s20], [sflag:$0x6], $0x2000, $0x38;
	[tilespmem:$0x10000] =	vst v63  }
.Ltmp5:
0xe8: {  	(pc) =	sbr.rel .LBB2_9-.Ltmp5, $4  }
0xe9: {  	_ = 	snop  }
0xea: {  	_ =	swait.ge [sflag:s21], $0x2000  }
0xeb: {  	[sflag:s21] =	ssyncset.done $0x0  }
0xec: {  	[sflag:s21] =	ssyncadd.s32 $0xFFFFE000  }
.LBB2_8:
0xed: {  	s8 =	sadd.s32 s0, s10  }
0xee: {  	s8 =	sshrl.u32 s8, $0x3  }
.Ltmp6:
0xef: {  	s8 =	sadd.s32 s3, s8;
	(pc) =	sbr.rel @p0 .LBB2_10-.Ltmp6, $4  }
0xf0: {  	[tilespmem:s2], [sflag:$0x1] =	stream.linear.gather [hbm4b:s8+s2], $0x2000, $0x38;
	[tilespmem:$0x10000] =	vst v63  }
0xf1: {  	_ =	swait.ge [sflag:s21], $0x2000  }
0xf2: {  	[sflag:s21] =	ssyncset.done $0x0  }
0xf3: {  	[sflag:s21] =	ssyncadd.s32 $0xFFFFE000  }
.LBB2_9:
0xf4: {  	_ =	swait.ge [sflag:s22], $0x2000  }
0xf5: {  	[sflag:s22] =	ssyncset.done $0x0  }
0xf6: {  	[sflag:s22] =	ssyncadd.s32 $0xFFFFE000  }
.LBB2_10:
0xf7: {  	s8 =	simm.s32 $0x0  }
0xf8: {  	v1 =	vld [tilespmem:s8+$0x4070]  }
0xf9: {  	v2 =	vld [tilespmem:s8+$0x4000]  }
0xfa: {  	v3 =	vld [tilespmem:s8+$0x4010]  }
0xfb: {  	v4 =	vld [tilespmem:s8+$0x4020]  }
0xfc: {  	v5 =	vld [tilespmem:s8+$0x4030]  }
0xfd: {  	v6 =	vld [tilespmem:s8+$0x4040]  }
0xfe: {  	v7 =	vld [tilespmem:s8+$0x4050]  }
0xff: {  	v8 =	vld [tilespmem:s8+$0x4060]  }
0x100: {  	v1 =	vmul.f32 $4.058451080e+01, v1  }
0x101: {  	v2 =	vmul.f32 $4.058451080e+01, v2;
	v3 =	vmul.f32 $4.058451080e+01, v3  }
0x102: {  	v4 =	vmul.f32 $4.058451080e+01, v4;
	v5 =	vmul.f32 $4.058451080e+01, v5  }
0x103: {  	v6 =	vmul.f32 $4.058451080e+01, v6;
	v7 =	vmul.f32 $4.058451080e+01, v7  }
0x104: {  	v8 =	vmul.f32 $4.058451080e+01, v8;
	v9 =	vtrunc.f32 v1  }
0x105: {  	vm0 =	vgt.f32 v1, $0.0e+00;
	v1 =	vtrunc.f32 v2;
	v11 =	vtrunc.f32 v3  }
0x106: {  	v58 =	vtrunc.f32 v4;
	v12 =	vtrunc.f32 v5  }
0x107: {  	v13 =	vtrunc.f32 v6;
	v14 =	vtrunc.f32 v7  }
0x108: {  	vm1 =	vgt.f32 v3, $0.0e+00;
	vm2 =	vgt.f32 v4, $0.0e+00;
	vm3 =	vgt.f32 v5, $0.0e+00  }
0x109: {  	vm4 =	vgt.f32 v6, $0.0e+00;
	vm5 =	vgt.f32 v7, $0.0e+00;
	v9 =	vcvt.f32.s32 v9  }
0x10a: {  	vm6 =	vgt.f32 v8, $0.0e+00;
	v1 =	vcvt.f32.s32 v1;
	v11 =	vcvt.f32.s32 v11  }
0x10b: {  	v10 =	vsel vm0, $0x1, v0;
	v3 =	vcvt.f32.s32 v58;
	v4 =	vcvt.f32.s32 v12  }
0x10c: {  	v59 =	vcvt.f32.s32 v13;
	v60 =	vcvt.f32.s32 v14;
	v6 =	vsel vm1, $0x1, v0  }
0x10d: {  	v7 =	vsel vm2, $0x1, v0;
	v62 =	vsel vm4, $0x1, v0;
	v9 =	vadd.s32 v9, v10  }
0x10e: {  	v15 =	vsel vm5, $0x1, v0;
	v63 =	vsel vm6, $0x1, v0;
	vm0 =	vgt.s32 v9, $0x0  }
0x10f: {  	v9 =	vnsel vm0, $0x0, v9;
	vm0 =	vgt.f32 v2, $0.0e+00;
	v2 =	vtrunc.f32 v8  }
0x110: {  	v8 =	vsel vm3, $0x1, v0;
	v61 =	vcvt.f32.s32 v2;
	v2 =	vsel vm0, $0x1, v0  }
0x111: {  	v9 =	vmin.u32 v9, $0x100;
	v5 =	vadd.s32 v1, v2;
	v1 =	vadd.s32 v11, v6  }
0x112: {  	v6 =	vadd.s32 v3, v7;
	v2 =	vadd.s32 v4, v8;
	v3 =	vadd.s32 v59, v62  }
0x113: {  	s9 =	simm.s32 $0x80;
	s13 =	simm.s32 $0x400;
	[tilespmem:s8+$0xC070] =	vst v9;
	v7 =	vadd.s32 v60, v15;
	vm0 =	vgt.s32 v5, $0x0;
	v4 =	vadd.s32 v61, v63  }
.LBB2_11:
0x114: {  	p2 =	sne.s32 s13, $0x7E00;
	v8 =	vld [tilespmem:s9+$0x4070];
	vm1 =	vgt.s32 v1, $0x0;
	vm2 =	vgt.s32 v6, $0x0;
	vm3 =	vgt.s32 v2, $0x0  }
0x115: {  	vm4 =	vgt.s32 v3, $0x0;
	vm5 =	vgt.s32 v7, $0x0;
	vm6 =	vgt.s32 v4, $0x0;
	v9 =	vld [tilespmem:s9+$0x4000]  }
0x116: {  	v5 =	vnsel vm0, $0x0, v5;
	v1 =	vnsel vm1, $0x0, v1;
	v6 =	vnsel vm2, $0x0, v6;
	v10 =	vld [tilespmem:s9+$0x4010]  }
0x117: {  	v2 =	vnsel vm3, $0x0, v2;
	v3 =	vnsel vm4, $0x0, v3;
	v7 =	vnsel vm5, $0x0, v7;
	v11 =	vld [tilespmem:s9+$0x4020]  }
0x118: {  	v5 =	vmin.u32 v5, $0x100;
	v4 =	vnsel vm6, $0x0, v4;
	v1 =	vmin.u32 v1, $0x100;
	v12 =	vld [tilespmem:s9+$0x4030]  }
0x119: {  	v2 =	vmin.u32 v2, $0x100;
	v13 =	vld [tilespmem:s9+$0x4040];
	v8 =	vmul.f32 $4.058451080e+01, v8;
	[tilespmem:s8+$0xC000] =	vst v5;
	v5 =	vmin.u32 v6, $0x100  }
0x11a: {  	v6 =	vmul.f32 $4.058451080e+01, v9;
	v9 =	vld [tilespmem:s9+$0x4050];
	[tilespmem:s8+$0xC010] =	vst v1;
	v1 =	vmin.u32 v3, $0x100;
	v3 =	vmin.u32 v7, $0x100  }
0x11b: {  	v4 =	vmin.u32 v4, $0x100;
	v7 =	vmul.f32 $4.058451080e+01, v10;
	v10 =	vld [tilespmem:s9+$0x4060];
	v14 =	vtrunc.f32 v8;
	[tilespmem:s8+$0xC020] =	vst v5  }
0x11c: {  	vm0 =	vgt.f32 v8, $0.0e+00;
	v5 =	vmul.f32 $4.058451080e+01, v11;
	v11 =	vcvt.f32.s32 v14;
	[tilespmem:s8+$0xC030] =	vst v2  }
0x11d: {  	v2 =	vtrunc.f32 v6;
	v8 =	vmul.f32 $4.058451080e+01, v12;
	v12 =	vsel vm0, $0x1, v0;
	[tilespmem:s8+$0xC040] =	vst v1  }
0x11e: {  	v1 =	vtrunc.f32 v7;
	v13 =	vmul.f32 $4.058451080e+01, v13;
	v11 =	vadd.s32 v11, v12;
	[tilespmem:s8+$0xC050] =	vst v3  }
0x11f: {  	v3 =	vtrunc.f32 v5;
	v9 =	vmul.f32 $4.058451080e+01, v9;
	vm0 =	vgt.s32 v11, $0x0;
	[tilespmem:s8+$0xC060] =	vst v4;
	s8 =	smov.u32 s9  }
0x120: {  	v4 =	vtrunc.f32 v8;
	v10 =	vmul.f32 $4.058451080e+01, v10;
	v11 =	vnsel vm0, $0x0, v11  }
0x121: {  	v12 =	vtrunc.f32 v13;
	v14 =	vtrunc.f32 v9;
	v11 =	vmin.u32 v11, $0x100  }
0x122: {  	v2 =	vcvt.f32.s32 v2;
	vm0 =	vgt.f32 v6, $0.0e+00;
	v6 =	vtrunc.f32 v10;
	[tilespmem:s8+$0xC070] =	vst v11  }
0x123: {  	vm1 =	vgt.f32 v7, $0.0e+00;
	v1 =	vcvt.f32.s32 v1;
	v3 =	vcvt.f32.s32 v3  }
0x124: {  	vm2 =	vgt.f32 v5, $0.0e+00;
	v4 =	vcvt.f32.s32 v4;
	v7 =	vcvt.f32.s32 v12  }
0x125: {  	vm3 =	vgt.f32 v8, $0.0e+00;
	v8 =	vcvt.f32.s32 v14;
	v11 =	vcvt.f32.s32 v6  }
0x126: {  	vm4 =	vgt.f32 v13, $0.0e+00;
	vm5 =	vgt.f32 v9, $0.0e+00;
	vm6 =	vgt.f32 v10, $0.0e+00  }
.Ltmp7:
0x127: {  	v5 =	vsel vm0, $0x1, v0;
	v9 =	vsel vm2, $0x1, v0;
	v6 =	vsel vm1, $0x1, v0;
	(pc) =	sbr.rel @p2 .LBB2_11-.Ltmp7, $4  }
0x128: {  	v12 =	vsel vm4, $0x1, v0;
	v10 =	vsel vm3, $0x1, v0;
	v13 =	vsel vm5, $0x1, v0  }
0x129: {  	v5 =	vadd.s32 v2, v5;
	v14 =	vsel vm6, $0x1, v0;
	v1 =	vadd.s32 v1, v6  }
0x12a: {  	v2 =	vadd.s32 v4, v10;
	v6 =	vadd.s32 v3, v9;
	v3 =	vadd.s32 v7, v12  }
0x12b: {  	s9 =	sshra.s32 s13, $0x2;
	s13 =	sadd.s32 $0x200, s13;
	vm0 =	vgt.s32 v5, $0x0;
	v7 =	vadd.s32 v8, v13;
	v4 =	vadd.s32 v11, v14  }
0x12c: {  	v8 =	vld [tilespmem:s9+$0x4070]  }
0x12d: {  	v9 =	vld [tilespmem:s9+$0x4000]  }
0x12e: {  	vm1 =	vgt.s32 v1, $0x0;
	vm2 =	vgt.s32 v6, $0x0;
	v10 =	vld [tilespmem:s9+$0x4010]  }
0x12f: {  	vm3 =	vgt.s32 v2, $0x0;
	vm4 =	vgt.s32 v3, $0x0;
	vm5 =	vgt.s32 v7, $0x0;
	v11 =	vld [tilespmem:s9+$0x4020]  }
0x130: {  	vm6 =	vgt.s32 v4, $0x0;
	v5 =	vnsel vm0, $0x0, v5;
	v12 =	vld [tilespmem:s9+$0x4030];
	v1 =	vnsel vm1, $0x0, v1  }
0x131: {  	v13 =	vld [tilespmem:s9+$0x4040];
	v6 =	vnsel vm2, $0x0, v6;
	v2 =	vnsel vm3, $0x0, v2;
	v3 =	vnsel vm4, $0x0, v3  }
0x132: {  	v7 =	vnsel vm5, $0x0, v7;
	v5 =	vmin.u32 v5, $0x100;
	v4 =	vnsel vm6, $0x0, v4  }
0x133: {  	v1 =	vmin.u32 v1, $0x100;
	v42 =	vmin.u32 v6, $0x100;
	v2 =	vmin.u32 v2, $0x100  }
0x134: {  	v3 =	vmin.u32 v3, $0x100;
	v8 =	vmul.f32 $4.058451080e+01, v8;
	v43 =	vmul.f32 $4.058451080e+01, v9  }
0x135: {  	[tilespmem:s8+$0xC000] =	vst v5;
	v4 =	vmin.u32 v4, $0x100;
	v45 =	vmul.f32 $4.058451080e+01, v10;
	v11 =	vmul.f32 $4.058451080e+01, v11  }
0x136: {  	v44 =	vld [tilespmem:s9+$0x4050];
	[tilespmem:s8+$0xC010] =	vst v1;
	v1 =	vmin.u32 v7, $0x100;
	v12 =	vmul.f32 $4.058451080e+01, v12;
	v13 =	vmul.f32 $4.058451080e+01, v13  }
0x137: {  	v46 =	vtrunc.f32 v8;
	vm8 =	vgt.f32 v8, $0.0e+00;
	v47 =	vtrunc.f32 v43  }
0x138: {  	v48 =	vtrunc.f32 v45;
	vm9 =	vgt.f32 v43, $0.0e+00;
	v49 =	vtrunc.f32 v11  }
0x139: {  	vm11 =	vgt.f32 v45, $0.0e+00;
	v50 =	vtrunc.f32 v12;
	vm12 =	vgt.f32 v11, $0.0e+00  }
0x13a: {  	v14 =	vld [tilespmem:s9+$0x4060];
	v51 =	vtrunc.f32 v13;
	vm13 =	vgt.f32 v12, $0.0e+00;
	vm14 =	vgt.f32 v13, $0.0e+00  }
0x13b: {  	v10 =	vcvt.f32.s32 v46;
	v15 =	vsel vm8, $0x1, v0;
	v9 =	vmul.f32 $4.058451080e+01, v44  }
0x13c: {  	v8 =	vcvt.f32.s32 v47;
	v53 =	vsel vm9, $0x1, v0;
	v6 =	vcvt.f32.s32 v49  }
0x13d: {  	v7 =	vcvt.f32.s32 v50;
	v11 =	vcvt.f32.s32 v51;
	v55 =	vsel vm11, $0x1, v0  }
0x13e: {  	[tilespmem:s8+$0xC030] =	vst v2;
	v56 =	vsel vm12, $0x1, v0;
	v57 =	vsel vm13, $0x1, v0;
	v2 =	vsel vm14, $0x1, v0  }
0x13f: {  	v14 =	vmul.f32 $4.058451080e+01, v14;
	v10 =	vadd.s32 v10, v15;
	v52 =	vtrunc.f32 v9  }
0x140: {  	[tilespmem:s8+$0xC040] =	vst v3;
	v8 =	vadd.s32 v8, v53;
	v15 =	vcvt.f32.s32 v48;
	vm15 =	vgt.f32 v9, $0.0e+00  }
0x141: {  	[tilespmem:s8+$0xC050] =	vst v1;
	v3 =	vadd.s32 v6, v56;
	v7 =	vadd.s32 v7, v57;
	v1 =	vadd.s32 v11, v2  }
0x142: {  	vm10 =	vgt.s32 v10, $0x0;
	v54 =	vtrunc.f32 v14;
	v12 =	vcvt.f32.s32 v52  }
0x143: {  	vm8 =	vgt.f32 v14, $0.0e+00;
	v58 =	vsel vm15, $0x1, v0;
	vm9 =	vgt.s32 v8, $0x0  }
0x144: {  	vm11 =	vgt.s32 v3, $0x0;
	vm12 =	vgt.s32 v7, $0x0;
	vm13 =	vgt.s32 v1, $0x0  }
0x145: {  	[tilespmem:s8+$0xC020] =	vst v42;
	v10 =	vnsel vm10, $0x0, v10;
	v13 =	vcvt.f32.s32 v54;
	v5 =	vadd.s32 v15, v55  }
0x146: {  	[tilespmem:s8+$0xC060] =	vst v4;
	v59 =	vsel vm8, $0x1, v0;
	v61 =	vnsel vm9, $0x0, v8;
	v10 =	vmin.u32 v10, $0x100  }
0x147: {  	v3 =	vnsel vm11, $0x0, v3;
	v62 =	vnsel vm12, $0x0, v7;
	v6 =	vmin.u32 v61, $0x100;
	[tilespmem:s9+$0xC070] =	vst v10  }
0x148: {  	v1 =	vnsel vm13, $0x0, v1;
	v2 =	vadd.s32 v12, v58;
	v3 =	vmin.u32 v3, $0x100;
	[tilespmem:s9+$0xC000] =	vst v6  }
0x149: {  	vm10 =	vgt.s32 v5, $0x0;
	v63 =	vmin.u32 v62, $0x100;
	v1 =	vmin.u32 v1, $0x100;
	[tilespmem:s9+$0xC020] =	vst v3  }
0x14a: {  	v60 =	vadd.s32 v13, v59;
	v5 =	vnsel vm10, $0x0, v5;
	vm14 =	vgt.s32 v2, $0x0;
	[tilespmem:s9+$0xC030] =	vst v63  }
.Ltmp8:
0x14b: {  	[tilespmem:s9+$0xC040] =	vst v1;
	v5 =	vmin.u32 v5, $0x100;
	vm15 =	vgt.s32 v60, $0x0;
	v2 =	vnsel vm14, $0x0, v2;
	(pc) =	sbr.rel @p1 .LBB2_14-.Ltmp8, $4  }
0x14c: {  	[tilespmem:s9+$0xC010] =	vst v5;
	v3 =	vnsel vm15, $0x0, v60;
	v2 =	vmin.u32 v2, $0x100  }
0x14d: {  	v1 =	vmin.u32 v3, $0x100;
	[tilespmem:s9+$0xC050] =	vst v2  }
0x14e: {  	s7 =	sadd.s32 $0x800, s7;
	[tilespmem:s9+$0xC060] =	vst v1  }
0x14f: {  	[hbm4b:s7+s2] =	stream.linear.scatter [tilespmem:s23], [sflag:$0x7], $0x2000, $0x38;
	[tilespmem:$0x10000] =	vst v63  }
.Ltmp9:
0x150: {  	(pc) =	sbr.rel .LBB2_15-.Ltmp9, $4  }
0x151: {  	_ = 	snop  }
0x152: {  	_ =	swait.ge [sflag:s24], $0x2000  }
0x153: {  	[sflag:s24] =	ssyncset.done $0x0  }
0x154: {  	[sflag:s24] =	ssyncadd.s32 $0xFFFFE000  }
.LBB2_14:
0x155: {  	s7 =	sadd.s32 s0, s11  }
0x156: {  	s7 =	sshrl.u32 s7, $0x3  }
.Ltmp10:
0x157: {  	s7 =	sadd.s32 s3, s7;
	(pc) =	sbr.rel @p0 .LBB2_16-.Ltmp10, $4  }
0x158: {  	[tilespmem:s14], [sflag:$0x2] =	stream.linear.gather [hbm4b:s7+s2], $0x2000, $0x38;
	[tilespmem:$0x10000] =	vst v63  }
0x159: {  	_ =	swait.ge [sflag:s24], $0x2000  }
0x15a: {  	[sflag:s24] =	ssyncset.done $0x0  }
0x15b: {  	[sflag:s24] =	ssyncadd.s32 $0xFFFFE000  }
.LBB2_15:
0x15c: {  	_ =	swait.ge [sflag:s25], $0x2000  }
0x15d: {  	[sflag:s25] =	ssyncset.done $0x0  }
0x15e: {  	[sflag:s25] =	ssyncadd.s32 $0xFFFFE000  }
.LBB2_16:
0x15f: {  	s7 =	simm.s32 $0x0  }
0x160: {  	v1 =	vld [tilespmem:s7+$0x6070]  }
0x161: {  	v2 =	vld [tilespmem:s7+$0x6000]  }
0x162: {  	v3 =	vld [tilespmem:s7+$0x6010]  }
0x163: {  	v4 =	vld [tilespmem:s7+$0x6020]  }
0x164: {  	v5 =	vld [tilespmem:s7+$0x6030]  }
0x165: {  	v6 =	vld [tilespmem:s7+$0x6040]  }
0x166: {  	v7 =	vld [tilespmem:s7+$0x6050]  }
0x167: {  	v8 =	vld [tilespmem:s7+$0x6060]  }
0x168: {  	v1 =	vmul.f32 $4.058451080e+01, v1  }
0x169: {  	v2 =	vmul.f32 $4.058451080e+01, v2;
	v3 =	vmul.f32 $4.058451080e+01, v3  }
0x16a: {  	v4 =	vmul.f32 $4.058451080e+01, v4;
	v5 =	vmul.f32 $4.058451080e+01, v5  }
0x16b: {  	v6 =	vmul.f32 $4.058451080e+01, v6;
	v7 =	vmul.f32 $4.058451080e+01, v7  }
0x16c: {  	v8 =	vmul.f32 $4.058451080e+01, v8;
	v9 =	vtrunc.f32 v1  }
0x16d: {  	vm0 =	vgt.f32 v1, $0.0e+00;
	v1 =	vtrunc.f32 v2;
	v11 =	vtrunc.f32 v3  }
0x16e: {  	v58 =	vtrunc.f32 v4;
	v12 =	vtrunc.f32 v5  }
0x16f: {  	v13 =	vtrunc.f32 v6;
	v14 =	vtrunc.f32 v7  }
0x170: {  	vm1 =	vgt.f32 v3, $0.0e+00;
	vm2 =	vgt.f32 v4, $0.0e+00;
	vm3 =	vgt.f32 v5, $0.0e+00  }
0x171: {  	vm4 =	vgt.f32 v6, $0.0e+00;
	vm5 =	vgt.f32 v7, $0.0e+00;
	v9 =	vcvt.f32.s32 v9  }
0x172: {  	vm6 =	vgt.f32 v8, $0.0e+00;
	v1 =	vcvt.f32.s32 v1;
	v11 =	vcvt.f32.s32 v11  }
0x173: {  	v10 =	vsel vm0, $0x1, v0;
	v3 =	vcvt.f32.s32 v58;
	v4 =	vcvt.f32.s32 v12  }
0x174: {  	v59 =	vcvt.f32.s32 v13;
	v60 =	vcvt.f32.s32 v14;
	v6 =	vsel vm1, $0x1, v0  }
0x175: {  	v7 =	vsel vm2, $0x1, v0;
	v62 =	vsel vm4, $0x1, v0;
	v9 =	vadd.s32 v9, v10  }
0x176: {  	v15 =	vsel vm5, $0x1, v0;
	v63 =	vsel vm6, $0x1, v0;
	vm0 =	vgt.s32 v9, $0x0  }
0x177: {  	v9 =	vnsel vm0, $0x0, v9;
	vm0 =	vgt.f32 v2, $0.0e+00;
	v2 =	vtrunc.f32 v8  }
0x178: {  	v8 =	vsel vm3, $0x1, v0;
	v61 =	vcvt.f32.s32 v2;
	v2 =	vsel vm0, $0x1, v0  }
0x179: {  	v9 =	vmin.u32 v9, $0x100;
	v5 =	vadd.s32 v1, v2;
	v1 =	vadd.s32 v11, v6  }
0x17a: {  	v6 =	vadd.s32 v3, v7;
	v2 =	vadd.s32 v4, v8;
	v3 =	vadd.s32 v59, v62  }
0x17b: {  	s8 =	simm.s32 $0x80;
	s9 =	simm.s32 $0x400;
	[tilespmem:s7+$0xE070] =	vst v9;
	v7 =	vadd.s32 v60, v15;
	vm0 =	vgt.s32 v5, $0x0;
	v4 =	vadd.s32 v61, v63  }
.LBB2_17:
0x17c: {  	p0 =	sne.s32 s9, $0x7E00;
	v8 =	vld [tilespmem:s8+$0x6070];
	vm1 =	vgt.s32 v1, $0x0;
	vm2 =	vgt.s32 v6, $0x0;
	vm3 =	vgt.s32 v2, $0x0  }
0x17d: {  	vm4 =	vgt.s32 v3, $0x0;
	vm5 =	vgt.s32 v7, $0x0;
	vm6 =	vgt.s32 v4, $0x0;
	v9 =	vld [tilespmem:s8+$0x6000]  }
0x17e: {  	v5 =	vnsel vm0, $0x0, v5;
	v1 =	vnsel vm1, $0x0, v1;
	v6 =	vnsel vm2, $0x0, v6;
	v10 =	vld [tilespmem:s8+$0x6010]  }
0x17f: {  	v2 =	vnsel vm3, $0x0, v2;
	v3 =	vnsel vm4, $0x0, v3;
	v7 =	vnsel vm5, $0x0, v7;
	v11 =	vld [tilespmem:s8+$0x6020]  }
0x180: {  	v5 =	vmin.u32 v5, $0x100;
	v4 =	vnsel vm6, $0x0, v4;
	v1 =	vmin.u32 v1, $0x100;
	v12 =	vld [tilespmem:s8+$0x6030]  }
0x181: {  	v2 =	vmin.u32 v2, $0x100;
	v13 =	vld [tilespmem:s8+$0x6040];
	v8 =	vmul.f32 $4.058451080e+01, v8;
	[tilespmem:s7+$0xE000] =	vst v5;
	v5 =	vmin.u32 v6, $0x100  }
0x182: {  	v6 =	vmul.f32 $4.058451080e+01, v9;
	v9 =	vld [tilespmem:s8+$0x6050];
	[tilespmem:s7+$0xE010] =	vst v1;
	v1 =	vmin.u32 v3, $0x100;
	v3 =	vmin.u32 v7, $0x100  }
0x183: {  	v4 =	vmin.u32 v4, $0x100;
	v7 =	vmul.f32 $4.058451080e+01, v10;
	v10 =	vld [tilespmem:s8+$0x6060];
	v14 =	vtrunc.f32 v8;
	[tilespmem:s7+$0xE020] =	vst v5  }
0x184: {  	vm0 =	vgt.f32 v8, $0.0e+00;
	v5 =	vmul.f32 $4.058451080e+01, v11;
	v11 =	vcvt.f32.s32 v14;
	[tilespmem:s7+$0xE030] =	vst v2  }
0x185: {  	v2 =	vtrunc.f32 v6;
	v8 =	vmul.f32 $4.058451080e+01, v12;
	v12 =	vsel vm0, $0x1, v0;
	[tilespmem:s7+$0xE040] =	vst v1  }
0x186: {  	v1 =	vtrunc.f32 v7;
	v13 =	vmul.f32 $4.058451080e+01, v13;
	v11 =	vadd.s32 v11, v12;
	[tilespmem:s7+$0xE050] =	vst v3  }
0x187: {  	v3 =	vtrunc.f32 v5;
	v9 =	vmul.f32 $4.058451080e+01, v9;
	vm0 =	vgt.s32 v11, $0x0;
	[tilespmem:s7+$0xE060] =	vst v4;
	s7 =	smov.u32 s8  }
0x188: {  	v4 =	vtrunc.f32 v8;
	v10 =	vmul.f32 $4.058451080e+01, v10;
	v11 =	vnsel vm0, $0x0, v11  }
0x189: {  	v12 =	vtrunc.f32 v13;
	v14 =	vtrunc.f32 v9;
	v11 =	vmin.u32 v11, $0x100  }
0x18a: {  	v2 =	vcvt.f32.s32 v2;
	vm0 =	vgt.f32 v6, $0.0e+00;
	v6 =	vtrunc.f32 v10;
	[tilespmem:s7+$0xE070] =	vst v11  }
0x18b: {  	vm1 =	vgt.f32 v7, $0.0e+00;
	v1 =	vcvt.f32.s32 v1;
	v3 =	vcvt.f32.s32 v3  }
0x18c: {  	vm2 =	vgt.f32 v5, $0.0e+00;
	v4 =	vcvt.f32.s32 v4;
	v7 =	vcvt.f32.s32 v12  }
0x18d: {  	vm3 =	vgt.f32 v8, $0.0e+00;
	v8 =	vcvt.f32.s32 v14;
	v11 =	vcvt.f32.s32 v6  }
0x18e: {  	vm4 =	vgt.f32 v13, $0.0e+00;
	vm5 =	vgt.f32 v9, $0.0e+00;
	vm6 =	vgt.f32 v10, $0.0e+00  }
.Ltmp11:
0x18f: {  	v5 =	vsel vm0, $0x1, v0;
	v9 =	vsel vm2, $0x1, v0;
	v6 =	vsel vm1, $0x1, v0;
	(pc) =	sbr.rel @p0 .LBB2_17-.Ltmp11, $4  }
0x190: {  	v12 =	vsel vm4, $0x1, v0;
	v10 =	vsel vm3, $0x1, v0;
	v13 =	vsel vm5, $0x1, v0  }
0x191: {  	v5 =	vadd.s32 v2, v5;
	v14 =	vsel vm6, $0x1, v0;
	v1 =	vadd.s32 v1, v6  }
0x192: {  	v2 =	vadd.s32 v4, v10;
	v6 =	vadd.s32 v3, v9;
	v3 =	vadd.s32 v7, v12  }
0x193: {  	s8 =	sshra.s32 s9, $0x2;
	s9 =	sadd.s32 $0x200, s9;
	vm0 =	vgt.s32 v5, $0x0;
	v7 =	vadd.s32 v8, v13;
	v4 =	vadd.s32 v11, v14  }
0x194: {  	v8 =	vld [tilespmem:s8+$0x6070]  }
0x195: {  	v9 =	vld [tilespmem:s8+$0x6000]  }
0x196: {  	vm1 =	vgt.s32 v1, $0x0;
	vm2 =	vgt.s32 v6, $0x0;
	v10 =	vld [tilespmem:s8+$0x6010]  }
0x197: {  	vm3 =	vgt.s32 v2, $0x0;
	vm4 =	vgt.s32 v3, $0x0;
	vm5 =	vgt.s32 v7, $0x0;
	v11 =	vld [tilespmem:s8+$0x6020]  }
0x198: {  	vm6 =	vgt.s32 v4, $0x0;
	v5 =	vnsel vm0, $0x0, v5;
	v12 =	vld [tilespmem:s8+$0x6030];
	v1 =	vnsel vm1, $0x0, v1  }
0x199: {  	v13 =	vld [tilespmem:s8+$0x6040];
	v6 =	vnsel vm2, $0x0, v6;
	v2 =	vnsel vm3, $0x0, v2;
	v3 =	vnsel vm4, $0x0, v3  }
0x19a: {  	v7 =	vnsel vm5, $0x0, v7;
	v5 =	vmin.u32 v5, $0x100;
	v4 =	vnsel vm6, $0x0, v4  }
0x19b: {  	v1 =	vmin.u32 v1, $0x100;
	v42 =	vmin.u32 v6, $0x100;
	v2 =	vmin.u32 v2, $0x100  }
0x19c: {  	v3 =	vmin.u32 v3, $0x100;
	v8 =	vmul.f32 $4.058451080e+01, v8;
	v43 =	vmul.f32 $4.058451080e+01, v9  }
0x19d: {  	[tilespmem:s7+$0xE000] =	vst v5;
	v4 =	vmin.u32 v4, $0x100;
	v45 =	vmul.f32 $4.058451080e+01, v10;
	v11 =	vmul.f32 $4.058451080e+01, v11  }
0x19e: {  	v44 =	vld [tilespmem:s8+$0x6050];
	[tilespmem:s7+$0xE010] =	vst v1;
	v1 =	vmin.u32 v7, $0x100;
	v12 =	vmul.f32 $4.058451080e+01, v12;
	v13 =	vmul.f32 $4.058451080e+01, v13  }
0x19f: {  	v46 =	vtrunc.f32 v8;
	vm8 =	vgt.f32 v8, $0.0e+00;
	v47 =	vtrunc.f32 v43  }
0x1a0: {  	v48 =	vtrunc.f32 v45;
	vm9 =	vgt.f32 v43, $0.0e+00;
	v49 =	vtrunc.f32 v11  }
0x1a1: {  	vm11 =	vgt.f32 v45, $0.0e+00;
	v50 =	vtrunc.f32 v12;
	vm12 =	vgt.f32 v11, $0.0e+00  }
0x1a2: {  	v14 =	vld [tilespmem:s8+$0x6060];
	v51 =	vtrunc.f32 v13;
	vm13 =	vgt.f32 v12, $0.0e+00;
	vm14 =	vgt.f32 v13, $0.0e+00  }
0x1a3: {  	v10 =	vcvt.f32.s32 v46;
	v15 =	vsel vm8, $0x1, v0;
	v9 =	vmul.f32 $4.058451080e+01, v44  }
0x1a4: {  	v8 =	vcvt.f32.s32 v47;
	v53 =	vsel vm9, $0x1, v0;
	v6 =	vcvt.f32.s32 v49  }
0x1a5: {  	v7 =	vcvt.f32.s32 v50;
	v11 =	vcvt.f32.s32 v51;
	v55 =	vsel vm11, $0x1, v0  }
0x1a6: {  	[tilespmem:s7+$0xE030] =	vst v2;
	v56 =	vsel vm12, $0x1, v0;
	v57 =	vsel vm13, $0x1, v0;
	v2 =	vsel vm14, $0x1, v0  }
0x1a7: {  	v14 =	vmul.f32 $4.058451080e+01, v14;
	v10 =	vadd.s32 v10, v15;
	v52 =	vtrunc.f32 v9  }
0x1a8: {  	[tilespmem:s7+$0xE040] =	vst v3;
	v8 =	vadd.s32 v8, v53;
	v15 =	vcvt.f32.s32 v48;
	vm15 =	vgt.f32 v9, $0.0e+00  }
0x1a9: {  	[tilespmem:s7+$0xE050] =	vst v1;
	v3 =	vadd.s32 v6, v56;
	v7 =	vadd.s32 v7, v57;
	v1 =	vadd.s32 v11, v2  }
0x1aa: {  	vm10 =	vgt.s32 v10, $0x0;
	v54 =	vtrunc.f32 v14;
	v12 =	vcvt.f32.s32 v52  }
0x1ab: {  	vm8 =	vgt.f32 v14, $0.0e+00;
	v58 =	vsel vm15, $0x1, v0;
	vm9 =	vgt.s32 v8, $0x0  }
0x1ac: {  	vm11 =	vgt.s32 v3, $0x0;
	vm12 =	vgt.s32 v7, $0x0;
	vm13 =	vgt.s32 v1, $0x0  }
0x1ad: {  	[tilespmem:s7+$0xE020] =	vst v42;
	v10 =	vnsel vm10, $0x0, v10;
	v13 =	vcvt.f32.s32 v54;
	v5 =	vadd.s32 v15, v55  }
0x1ae: {  	[tilespmem:s7+$0xE060] =	vst v4;
	v59 =	vsel vm8, $0x1, v0;
	v61 =	vnsel vm9, $0x0, v8;
	v10 =	vmin.u32 v10, $0x100  }
0x1af: {  	v3 =	vnsel vm11, $0x0, v3;
	v62 =	vnsel vm12, $0x0, v7;
	v6 =	vmin.u32 v61, $0x100;
	[tilespmem:s8+$0xE070] =	vst v10  }
0x1b0: {  	v1 =	vnsel vm13, $0x0, v1;
	v2 =	vadd.s32 v12, v58;
	v3 =	vmin.u32 v3, $0x100;
	[tilespmem:s8+$0xE000] =	vst v6  }
0x1b1: {  	vm10 =	vgt.s32 v5, $0x0;
	v63 =	vmin.u32 v62, $0x100;
	v1 =	vmin.u32 v1, $0x100;
	[tilespmem:s8+$0xE020] =	vst v3  }
0x1b2: {  	p0 =	seq.s32 s31, $0x7;
	v60 =	vadd.s32 v13, v59;
	v5 =	vnsel vm10, $0x0, v5;
	vm14 =	vgt.s32 v2, $0x0;
	[tilespmem:s8+$0xE030] =	vst v63  }
.Ltmp12:
0x1b3: {  	[tilespmem:s8+$0xE040] =	vst v1;
	v5 =	vmin.u32 v5, $0x100;
	vm15 =	vgt.s32 v60, $0x0;
	v2 =	vnsel vm14, $0x0, v2;
	(pc) =	sbr.rel @p0 .LBB2_20-.Ltmp12, $4  }
0x1b4: {  	s1 =	sor.u32 s5, s1;
	[tilespmem:s8+$0xE010] =	vst v5;
	v3 =	vnsel vm15, $0x0, v60;
	v2 =	vmin.u32 v2, $0x100  }
0x1b5: {  	s1 =	sshrl.u32 s1, $0x3;
	v1 =	vmin.u32 v3, $0x100;
	[tilespmem:s8+$0xE050] =	vst v2  }
0x1b6: {  	s1 =	sadd.s32 s4, s1;
	[tilespmem:s8+$0xE060] =	vst v1  }
0x1b7: {  	[hbm4b:s1+s2] =	stream.linear.scatter [tilespmem:s26], [sflag:$0x8], $0x2000, $0x38;
	[tilespmem:$0x10000] =	vst v63  }
.Ltmp13:
0x1b8: {  	(pc) =	sbr.rel .LBB2_2-.Ltmp13, $4  }
0x1b9: {  	s0 =	sadd.s32 s0, s12  }
0x1ba: {  	s0 =	sshrl.u32 s0, $0x3  }
0x1bb: {  	s31 =	sadd.s32 $0x1, s31;
	s0 =	sadd.s32 s3, s0  }
0x1bc: {  	[tilespmem:s15], [sflag:$0x3] =	stream.linear.gather [hbm4b:s0+s2], $0x2000, $0x38;
	[tilespmem:$0x10000] =	vst v63  }
.LBB2_21:
0x1bd: {  	_ =	sfence.sel $0x180000  }
0x1be: {  	[bflag:$0x0] =	sbarrier.arrive $0xFFFF  }
0x1bf: {  	_ =	strace $0x9000004A  }
0x1c0: {  	s0 =	stileid.u32;
	[bflag:$0x2] =	sbarrier.arrive $0xFFFF  }
0x1c1: {  	p0 =	sne.s32 s0, $0x0;
	s0 =	rddreg [dreg:$0x1]  }
0x1c2: {  	s0 =	sadd.s32 @!p0 $0x100000, s0  }
0x1c3: {  	[sflag:s0] =	ssyncadd.tile.s32 @!p0 $0x1;
	_ =	shalt  }
.Lfunc_end2:
_tile_overlayer_lowered:
.L_overlay_start_2:
0x1c4: {  	(tag) =	ssettag $0x2  }
0x1c5: {  	s0 =	rddreg [dreg:$0x0];
	s2 =	stileid.u32  }
0x1c6: {  	s1 =	rddreg [dreg:$0x1];
	p0 =	sne.s32 s2, $0x0  }
0x1c7: {  	s3 =	rddreg [dreg:$0x2];
	[bflag:$0x3] =	sbarrier.arrive $0xFFFF;
	s2 =	simm.s32 @!p0 $0x1C09  }
0x1c8: {  	[timem:s3], [sflag:s2] =	dma.local @!p0 [hbm:s0], s1  }
0x1c9: {  	s0 =	simm.s32 @!p0 $0x9  }
0x1ca: {  	_ =	swait.ge @!p0 [sflag:s0], s1  }
0x1cb: {  	s1 =	ssub.s32 @!p0 $0x0, s1;
	[sflag:s0] =	ssyncset.done @!p0 $0x0  }
0x1cc: {  	[sflag:s0] =	ssyncadd.s32 @!p0 s1  }
0x1cd: {  	[bflag:$0x3] =	sbarrier.arrive $0xFFFF  }
0x1ce: {  	_ =	shalt  }

// kernel: sparse-core-data-format-call.cloned.1.call-start
scs
called_computation_lowered:
.L_overlay_start_0:
0x0: {  	s2 =	sld [smem:$0x3FD9]  }
0x1: {  	s3 =	sld [smem:$0x3FFE];
	_ =	sdelay $0x1  }
0x2: {  	s1 =	srdreg.scid  }
0x3: {  	s0 =	sand.u32 $0x1, s1  }
0x4: {  	s18 =	sshll.u32 s0, $0xA;
	s2 =	sadd.s32 s3, s2  }
0x5: {  	s2 =	sadd.s32 s2, s18  }
0x6: {  	[smem:$0x3FC7] =	sst s2  }
0x7: {  	_ = 	snop  }
0x8: {  	s2 =	sld [smem:$0x3FC9];
	(tm) =	ssettm $0x1  }
0x9: {  	s19 =	sld [smem:$0x3FFB];
	_ =	sdelay $0x3  }
0xa: {  	_ =	strace s19  }
0xb: {  	s3 =	sld [smem:$0x3FFC];
	_ =	sdelay $0x3  }
0xc: {  	_ =	strace s3  }
0xd: {  	s3 =	sld [smem:$0x3FFD];
	_ =	sdelay $0x3  }
0xe: {  	_ =	strace s3  }
0xf: {  	_ =	strace $0x8FFFFFFF  }
0x10: {  	s20 =	sld [smem:$0x3FDB];
	_ =	sdelay $0x1  }
0x11: {  	s4 =	simm.s32 $_scs_section_size  }
0x12: {  	s5 =	simm.s32 $_size__tile_overlayer_lowered;
	s6 =	simm.s32 $_tile_overlayer_lowered  }
0x13: {  	s23 =	simm.s32 $0x1BFF;
	s22 =	sshll.u32 s6, $0x1;
	s3 =	sadd.s32 s4, s20  }
0x14: {  	s7 =	simm.s32 $0x0;
	s21 =	sshll.u32 s5, $0x1;
	s5 =	sadd.s32 s22, s3  }
0x15: {  	[timem:s7], [sflag:s23] =	dma.local [hbm:s5], s21  }
0x16: {  	_ =	swait.ge [sflag:s23], s21  }
0x17: {  	s4 =	ssub.s32 $0x0, s21;
	[sflag:s23] =	ssyncset.done $0x0  }
0x18: {  	[sflag:s23] =	ssyncadd.s32 s4;
	_ =	sdelay $0x1  }
0x19: {  	s24 =	simm.s32 $0x1B8B  }
0x1a: {  	_ =	swait.ge [sflag:s24], $0x1  }
0x1b: {  	[sflag:s24] =	ssyncset.done $0x0  }
0x1c: {  	s26 =	simm.s32 $0x1B8E;
	s25 =	sld [smem:$0x3FFE];
	[sflag:s24] =	ssyncadd.s32 $0xFFFFFFFF  }
0x1d: {  	s27 =	simm.s32 $execute0_lowered;
	[smem:$0x3FD2] =	sst s26  }
0x1e: {  	s5 =	sshll.u32 s27, $0x1;
	_ =	strace $0x80000046;
	[dreg:$0x1] =	wrdreg $0xFFFFFFFF  }
0x1f: {  	s28 =	simm.s32 $_size_execute0_lowered;
	s3 =	sadd.s32 s3, s5;
	[dreg:$0x0] =	wrdreg $0x0  }
0x20: {  	s5 =	sshll.u32 s28, $0x1;
	[dreg:$0x2] =	wrdreg s3  }
0x21: {  	[dreg:$0x3] =	wrdreg s5  }
0x22: {  	[dreg:$0x4] =	wrdreg $0xC0  }
0x23: {  	_ =	task [dreg:s7], $0x5FFFF  }
0x24: {  	[dreg:$0x1] =	wrdreg $0xFFFFFFFF  }
0x25: {  	[dreg:$0x0] =	wrdreg $0x60  }
0x26: {  	[dreg:$0x2] =	wrdreg s2  }
0x27: {  	[dreg:$0x3] =	wrdreg s25  }
0x28: {  	[dreg:$0x4] =	wrdreg $0x9  }
0x29: {  	_ =	task.clear_ibuf [dreg:s7], $0x5FFFF;
	_ =	strace $0x90000046  }
0x2a: {  	s29 =	simm.s32 $0x9;
	_ =	strace $0x80000048  }
0x2b: {  	_ =	swait.ge [sflag:s29], $0x1  }
0x2c: {  	[sflag:s29] =	ssyncadd.s32 $0xFFFFFFFF  }
0x2d: {  	_ =	strace $0x90000048  }
0x2e: {  	_ =	sfence  }
0x2f: {  	s30 =	sld [smem:$0x0];
	_ =	sdelay $0x2  }
0x30: {  	s31 =	sshll.u32 s1, $0xD;
	s1 =	sshrl.u32 s1, $0x2  }
0x31: {  	s3 =	sand.u32 $0x4000, s31;
	s1 =	sadd.s32 s1, s30  }
0x32: {  	s0 =	sor.u32 s3, s0;
	s1 =	sshll.u32 s1, $0x11  }
0x33: {  	s0 =	sor.u32 s1, s0  }
0x34: {  	s0 =	sadd.s32 $0x8F2B, s0  }
0x35: {  	[sflag:s0] =	ssyncadd.remote.s32 $0x1  }
0x36: {  	_ =	sfence.sel $0xFFFF  }
0x37: {  	[dreg:$0x0] =	wrdreg $0xFFFFFFFF;
	(pc) =	sbr.abs _section_cstart, $3  }
0x38: {  	[dreg:$0x1] =	wrdreg $0xFFFFFFFF  }
0x39: {  	_ =	task.clear_ibuf [dreg:s7], $0x2FFFF;
	_ =	strace $0x9FFFFFFF  }
0x3a: {  	(tm) =	ssettm $0x7FFFFFFF  }
0x3b: {  	_ =	shalt  }
tec
execute0_lowered:
.L_overlay_start_1:
0x0: {  	(tag) =	ssettag $0x1  }
0x1: {  	s2 =	rddreg [dreg:$0x0]  }
0x2: {  	s1 =	rddreg [dreg:$0x1]  }
0x3: {  	s0 =	rddreg [dreg:$0x2];
	_ =	strace $0x80000047;
	s4 =	srdreg.scid  }
0x4: {  	s6 =	simm.s32 $0x2;
	s11 =	simm.s32 $0x0;
	p0 =	por $0x0, $0x0  }
.Ltmp0:
0x5: {  	s7 =	simm.s32 $0x1000;
	s12 =	simm.s32 $0x0;
	(pc) =	sbr.rel .LBB1_1-.Ltmp0, $4  }
0x6: {  	s9 =	simm.s32 $0x0;
	s3 =	sadd.s32 $0x800, s1;
	s5 =	sshll.u32 s4, $0x4  }
0x7: {  	s1 =	stileid.u32;
	s4 =	simm.s32 $0x1;
	s5 =	sand.u32 $0x10, s5  }
0x8: {  	s8 =	simm.s32 $0x0;
	[sflag:s4] =	ssyncpa.u1 $0x0;
	s5 =	sor.u32 s1, s5  }
0x9: {  	[sflag:s6] =	ssyncpa.u1 $0x0;
	s6 =	simm.s32 $0x800;
	s10 =	smov.u32 s5  }
.LBB1_7:
0xa: {  	s13 =	sadd.s32 $0x10, s9  }
0xb: {  	s11 =	sadd.s32 $0x20, s10;
	s15 =	smov.u32 s10;
	p2 =	sgt.s32 s13, $0x1F  }
0xc: {  	p1 =	slt.u32 s8, $0x2;
	s15 =	smov.u32 @p2 s11  }
0xd: {  	s8 =	sadd.s32 $0x1, s8;
	s13 =	simm.s32 @p2 $0x0;
	p2 =	sgt.s32 s15, $0x3FF  }
0xe: {  	s15 =	smov.u32 @p2 s5;
	p2 =	sne.s32 s8, $0x42  }
.Ltmp1:
0xf: {  	_ = 	snop;
	(pc) =	sbr.rel @!p2 .LBB1_8-.Ltmp1, $4  }
0x10: {  	s14 =	simm.s32 @!p1 $0x2  }
0x11: {  	s12 =	smov.u32 s10;
	_ =	swait.ge @!p1 [sflag:s14], $0x4000  }
0x12: {  	p0 =	por !p0, !p0;
	s11 =	smov.u32 s9;
	[sflag:s14] =	ssyncset.done @!p1 $0x0  }
0x13: {  	s9 =	smov.u32 s13;
	[sflag:s14] =	ssyncadd.s32 @!p1 $0xFFFFC000;
	s10 =	smov.u32 s15  }
.LBB1_1:
0x14: {  	p1 =	sgt.u32 s8, $0x3F  }
0x15: {  	s13 =	sxor.u32 @!p1 $0xFFFFFFFF, s8;
	s14 =	sshll.u32 @!p1 s10, $0xC  }
0x16: {  	s15 =	sshll.u32 @!p1 s9, $0x7;
	s13 =	sshll.u32 @!p1 s13, $0xE;
	s14 =	sadd.s32 @!p1 s2, s14  }
0x17: {  	s13 =	sand.u32 @!p1 $0x4000, s13;
	s14 =	sadd.s32 @!p1 s15, s14;
	s15 =	simm.s32 @!p1 $0x0  }
0x18: {  	[tilespmem:s13], [sflag:$0x1] =	stream.linear.gather @!p1 [hbm4b:s14+s15], $0x4000, $0x38;
	[tilespmem:$0x10000] =	vst v63  }
0x19: {  	p1 =	seq.s32 s8, $0x0  }
0x1a: {  	p2 =	seq.s32 @!p1 s8, $0x41  }
0x1b: {  	p1 =	por p1, p2  }
.Ltmp2:
0x1c: {  	_ = 	snop;
	(pc) =	sbr.rel @p1 .LBB1_7-.Ltmp2, $1  }
0x1d: {  	_ =	sdelay $0x3  }
0x1e: {  	s13 =	simm.s32 $0x1;
	_ =	swait.ge [sflag:s4], $0x4000;
	s16 =	sshll.u32 s8, $0xE  }
0x1f: {  	s13 =	simm.s32 @!p0 $0x0;
	[sflag:s4] =	ssyncset.done $0x0;
	s31 =	sand.u32 $0x4000, s16  }
0x20: {  	s16 =	simm.s32 $0x0;
	s14 =	sshll.u32 s13, $0xE;
	[sflag:s4] =	ssyncadd.s32 $0xFFFFC000  }
0x21: {  	s13 =	sor.u32 $0x8040, s14;
	s15 =	sor.u32 $0x40, s14;
	s14 =	sor.u32 $0x8000, s31  }
.LBB1_3:
0x22: {  	v0 =	vmov s15;
	_ =	sdelay $0x3  }
0x23: {  	s18 =	simm.s32 $0x0  }
0x24: {  	v6 =	vld.idx.msk [tilespmem:v0+s18+$0x30 ss:$0x1], $0xffff  }
0x25: {  	v7 =	vld.idx.msk [tilespmem:v0+s18+$0xFFFFFFC0 ss:$0x1], $0xffff  }
0x26: {  	v5 =	vld.idx.msk [tilespmem:v0+s18+$0xFFFFFFD0 ss:$0x1], $0xffff  }
0x27: {  	v4 =	vld.idx.msk [tilespmem:v0+s18+$0xFFFFFFE0 ss:$0x1], $0xffff  }
0x28: {  	v3 =	vld.idx.msk [tilespmem:v0+s18+$0xFFFFFFF0 ss:$0x1], $0xffff  }
0x29: {  	v1 =	vld.idx.msk [tilespmem:v0+s18+$0x0 ss:$0x1], $0xffff  }
0x2a: {  	v2 =	vld.idx.msk [tilespmem:v0+s18+$0x10 ss:$0x1], $0xffff;
	[tilespmem:s13+$0x30] =	vst v6  }
0x2b: {  	s17 =	simm.s32 $0x80;
	s19 =	simm.s32 $0x400;
	[tilespmem:s13+$0xFFFFFFC0] =	vst v7;
	v6 =	vld.idx.msk [tilespmem:v0+s18+$0x20 ss:$0x1], $0xffff;
	s18 =	smov.u32 s13  }
.LBB1_4:
0x2c: {  	p1 =	sne.s32 s19, $0xE00;
	v7 =	vld.idx.msk [tilespmem:v0+s17+$0x30 ss:$0x1], $0xffff;
	[tilespmem:s18+$0xFFFFFFD0] =	vst v5  }
0x2d: {  	v8 =	vld.idx.msk [tilespmem:v0+s17+$0xFFFFFFC0 ss:$0x1], $0xffff;
	[tilespmem:s18+$0xFFFFFFE0] =	vst v4  }
0x2e: {  	v5 =	vld.idx.msk [tilespmem:v0+s17+$0xFFFFFFD0 ss:$0x1], $0xffff;
	[tilespmem:s18+$0xFFFFFFF0] =	vst v3  }
.Ltmp3:
0x2f: {  	v4 =	vld.idx.msk [tilespmem:v0+s17+$0xFFFFFFE0 ss:$0x1], $0xffff;
	[tilespmem:s18+$0x0] =	vst v1;
	(pc) =	sbr.rel @p1 .LBB1_4-.Ltmp3, $4  }
0x30: {  	v3 =	vld.idx.msk [tilespmem:v0+s17+$0xFFFFFFF0 ss:$0x1], $0xffff;
	[tilespmem:s18+$0x10] =	vst v2  }
0x31: {  	v1 =	vld.idx.msk [tilespmem:v0+s17+$0x0 ss:$0x1], $0xffff;
	[tilespmem:s18+$0x20] =	vst v6;
	s18 =	sadd.s32 $0x800, s18  }
0x32: {  	v2 =	vld.idx.msk [tilespmem:v0+s17+$0x10 ss:$0x1], $0xffff;
	[tilespmem:s18+$0x30] =	vst v7  }
0x33: {  	[tilespmem:s18+$0xFFFFFFC0] =	vst v8;
	v6 =	vld.idx.msk [tilespmem:v0+s17+$0x20 ss:$0x1], $0xffff;
	s17 =	sshra.s32 s19, $0x2;
	s19 =	sadd.s32 $0x200, s19  }
0x34: {  	_ =	sdelay $0x2  }
0x35: {  	[tilespmem:s18+$0xFFFFFFD0] =	vst v5  }
0x36: {  	v56 =	vld.idx.msk [tilespmem:v0+s17+$0x30 ss:$0x1], $0xffff;
	[tilespmem:s18+$0xFFFFFFE0] =	vst v4  }
0x37: {  	v57 =	vld.idx.msk [tilespmem:v0+s17+$0xFFFFFFC0 ss:$0x1], $0xffff;
	[tilespmem:s18+$0xFFFFFFF0] =	vst v3  }
0x38: {  	v58 =	vld.idx.msk [tilespmem:v0+s17+$0xFFFFFFD0 ss:$0x1], $0xffff;
	[tilespmem:s18+$0x0] =	vst v1  }
0x39: {  	v59 =	vld.idx.msk [tilespmem:v0+s17+$0xFFFFFFE0 ss:$0x1], $0xffff;
	[tilespmem:s18+$0x10] =	vst v2  }
0x3a: {  	v60 =	vld.idx.msk [tilespmem:v0+s17+$0xFFFFFFF0 ss:$0x1], $0xffff;
	s31 =	sadd.s32 $0x800, s18;
	[tilespmem:s18+$0x20] =	vst v6  }
0x3b: {  	v61 =	vld.idx.msk [tilespmem:v0+s17+$0x0 ss:$0x1], $0xffff;
	[tilespmem:s31+$0x30] =	vst v56  }
0x3c: {  	v62 =	vld.idx.msk [tilespmem:v0+s17+$0x10 ss:$0x1], $0xffff;
	s16 =	sadd.s32 $0x1, s16;
	[tilespmem:s31+$0xFFFFFFC0] =	vst v57  }
0x3d: {  	v63 =	vld.idx.msk [tilespmem:v0+s17+$0x20 ss:$0x1], $0xffff;
	p1 =	sne.s32 s16, $0x10;
	[tilespmem:s31+$0xFFFFFFD0] =	vst v58  }
.Ltmp4:
0x3e: {  	[tilespmem:s31+$0xFFFFFFE0] =	vst v59;
	(pc) =	sbr.rel @p1 .LBB1_3-.Ltmp4, $4  }
0x3f: {  	[tilespmem:s31+$0xFFFFFFF0] =	vst v60  }
0x40: {  	[tilespmem:s31+$0x0] =	vst v61  }
0x41: {  	[tilespmem:s31+$0x10] =	vst v62  }
0x42: {  	s13 =	sadd.s32 $0x80, s13;
	s15 =	sadd.s32 $0x400, s15;
	[tilespmem:s31+$0x20] =	vst v63  }
.Ltmp5:
0x43: {  	(pc) =	sbr.rel .LBB1_7-.Ltmp5, $4  }
0x44: {  	s12 =	sshll.u32 s12, $0xC;
	s11 =	sshll.u32 s11, $0x4  }
0x45: {  	s11 =	sand.u32 $0x1F0, s11;
	s12 =	sadd.s32 s3, s12  }
0x46: {  	s11 =	sadd.s32 s11, s12  }
0x47: {  	[hbm4b:s11+s6] =	stream.strided.scatter [tilespmem:s14], [sflag:$0x2], $0x4000, s7, s6, $0x38;
	[tilespmem:$0x10000] =	vst v63  }
.LBB1_8:
0x48: {  	_ =	sfence.sel $0x180000  }
0x49: {  	s2 =	simm.s32 $0x1;
	[bflag:$0x0] =	sbarrier.arrive $0xFFFF  }
0x4a: {  	s31 =	simm.s32 $0x2;
	[sflag:s2] =	ssyncpa.u1 $0x1  }
0x4b: {  	[sflag:s31] =	ssyncpa.u1 $0x1  }
0x4c: {  	p0 =	sne.s32 s1, $0x0;
	_ =	strace $0x90000047  }
0x4d: {  	s0 =	sadd.s32 @!p0 $0x100000, s0;
	[bflag:$0x2] =	sbarrier.arrive $0xFFFF  }
0x4e: {  	[sflag:s0] =	ssyncadd.tile.s32 @!p0 $0x1;
	_ =	shalt  }
.Lfunc_end1:
_tile_overlayer_lowered:
.L_overlay_start_2:
0x4f: {  	(tag) =	ssettag $0x2  }
0x50: {  	s0 =	rddreg [dreg:$0x0];
	s2 =	stileid.u32  }
0x51: {  	s1 =	rddreg [dreg:$0x1];
	p0 =	sne.s32 s2, $0x0  }
0x52: {  	s3 =	rddreg [dreg:$0x2];
	[bflag:$0x3] =	sbarrier.arrive $0xFFFF;
	s2 =	simm.s32 @!p0 $0x1C01  }
0x53: {  	[timem:s3], [sflag:s2] =	dma.local @!p0 [hbm:s0], s1  }
0x54: {  	s0 =	simm.s32 @!p0 $0x1  }
0x55: {  	_ =	swait.ge @!p0 [sflag:s0], s1  }
0x56: {  	s1 =	ssub.s32 @!p0 $0x0, s1;
	[sflag:s0] =	ssyncset.done @!p0 $0x0  }
0x57: {  	[sflag:s0] =	ssyncadd.s32 @!p0 s1  }
0x58: {  	[bflag:$0x3] =	sbarrier.arrive $0xFFFF  }
0x59: {  	_ =	shalt  }

</sc_bundles>
